<compile_context>
chip_gen: v7x
topology: tpu7x:2x2x1
jax: 0.10.2.dev20260603
libtpu: 0.0.44.dev20260713+nightly
codegen_flags: <defaults>
</compile_context>

<pallas_src>
import functools
import math

import jax
import jax.numpy as jnp
from jax import lax
from jax.experimental import pallas as pl
from jax.experimental.pallas import tpu as pltpu
from jax.experimental.pallas import tpu_sc as plsc

_BASE_RES = 16
_MAX_RES = 256
_NUM_LOD = 8
_FEAT = 2
_N = 1048576
_GROWTH = math.exp((math.log(_MAX_RES) - math.log(_BASE_RES)) / (_NUM_LOD - 1))
_LODS = [int(_BASE_RES * _GROWTH ** L) for L in range(_NUM_LOD)]

_SIZES_P = [-(-r * r // 8) * 8 for r in _LODS]
_PREF = [0]
for _s in _SIZES_P:
    _PREF.append(_PREF[-1] + _s)
_F8 = _PREF[-1]
_S05 = _PREF[6]

_TB = [[_PREF[l] + f * _S05 for l in range(6)] for f in range(2)]
_L6, _L7 = _SIZES_P[6], _SIZES_P[7]
_SB = {(0, 6): 0, (1, 6): _L6, (0, 7): 2 * _L6, (1, 7): 2 * _L6 + _L7}
_SPM = 2 * (_L6 + _L7)

_NC = 2
_NS = 16
_NW = _NC * _NS
_PPW = _N // _NW
_C = 1024
_CHUNKS = _PPW // _C
_PAIRS = _CHUNKS // 2


def _make_lookup():
    mesh = plsc.VectorSubcoreMesh(
        core_axis_name="c", subcore_axis_name="s",
        num_cores=_NC, num_subcores=_NS)

    @functools.partial(
        pl.kernel,
        out_type=jax.ShapeDtypeStruct((_N, _NUM_LOD * _FEAT), jnp.float32),
        mesh=mesh,
        compiler_params=pltpu.CompilerParams(
            needs_layout_passes=False, use_tc_tiling_on_sc=False),
        scratch_types=[
            pltpu.VMEM((2 * _S05,), jnp.float32),
            pltpu.VMEM((_C,), jnp.float32),
            pltpu.VMEM((_C,), jnp.float32),
            pltpu.VMEM((4 * _C,), jnp.int32),
            pltpu.VMEM((4 * _C,), jnp.float32),
            pltpu.VMEM((_C, 16), jnp.float32),
            pltpu.VMEM((4 * _C,), jnp.int32),
            pltpu.VMEM((4 * _C,), jnp.float32),
            pltpu.VMEM((_C, 16), jnp.float32),
            pltpu.VMEM_SHARED((_SPM,), jnp.float32),
            pltpu.SemaphoreType.DMA,
            pltpu.SemaphoreType.DMA,
        ],
    )
    def lookup(xs_h, ys_h, cbcat_h, out_h,
               tabv, xv, yv, idxA, colA, outA, idxB, colB, outB,
               spm, semA, semB):
        sid = lax.axis_index("s")
        wid = sid * _NC + lax.axis_index("c")
        iota = lax.iota(jnp.int32, 16)
        zeros16 = iota * 0
        ones16 = zeros16 + 1
        oc = [zeros16 + j for j in range(16)]

        pltpu.sync_copy(cbcat_h.at[pl.ds(0, _S05)], tabv.at[pl.ds(0, _S05)])
        pltpu.sync_copy(cbcat_h.at[pl.ds(_F8, _S05)],
                        tabv.at[pl.ds(_S05, _S05)])

        @pl.when(sid == 0)
        def _():
            for (f, l), b in _SB.items():
                pltpu.sync_copy(
                    cbcat_h.at[pl.ds(f * _F8 + _PREF[l], _SIZES_P[l])],
                    spm.at[pl.ds(b, _SIZES_P[l])])
        plsc.subcore_barrier()

        def compute(ci, idxv, colv, outv, sem):
            base = pl.multiple_of(wid * _PPW + ci * _C, _C)
            pltpu.sync_copy(xs_h.at[pl.ds(base, _C)], xv)
            pltpu.sync_copy(ys_h.at[pl.ds(base, _C)], yv)

            def idx_body(j, c2):
                rows = iota + j * 16
                x = xv[pl.ds(j * 16, 16)]
                y = yv[pl.ds(j * 16, 16)]
                for l in range(6):
                    r = _LODS[l]
                    cell = ((x * (r - 1.0)).astype(jnp.int32)
                            + (y * (r - 1.0)).astype(jnp.int32) * r)
                    f0 = plsc.load_gather(tabv, [cell + _TB[0][l]])
                    plsc.store_scatter(outv, [rows, oc[l]], f0)
                    f1 = plsc.load_gather(tabv, [cell + _TB[1][l]])
                    plsc.store_scatter(outv, [rows, oc[8 + l]], f1)
                for li, l in enumerate((6, 7)):
                    r = _LODS[l]
                    cell = ((x * (r - 1.0)).astype(jnp.int32)
                            + (y * (r - 1.0)).astype(jnp.int32) * r)
                    idxv[pl.ds((2 * li) * _C + j * 16, 16)] = (
                        cell + _SB[(0, l)])
                    idxv[pl.ds((2 * li + 1) * _C + j * 16, 16)] = (
                        cell + _SB[(1, l)])
                return c2
            lax.fori_loop(0, _C // 16, idx_body, 0, unroll=2)

            return pltpu.async_copy(spm.at[idxv], colv, sem)

        def finish(ci, cpy, colv, outv):
            cpy.wait()

            def asm_body(i, c2):
                rows = iota + i * 16
                for ki, j in enumerate((6, 14, 7, 15)):
                    v = colv[pl.ds(ki * _C + i * 16, 16)]
                    plsc.store_scatter(outv, [rows, oc[j]], v)
                return c2
            lax.fori_loop(0, _C // 16, asm_body, 0, unroll=4)

            base = pl.multiple_of(wid * _PPW + ci * _C, _C)
            pltpu.sync_copy(outv, out_h.at[pl.ds(base, _C), :])

        def pair_body(p, carry):
            a = p * 2
            b = a + 1
            cA = compute(a, idxA, colA, outA, semA)
            cB = compute(b, idxB, colB, outB, semB)
            finish(a, cA, colA, outA)
            finish(b, cB, colB, outB)
            return carry

        lax.fori_loop(0, _PAIRS, pair_body, 0)

    return lookup


_lookup = _make_lookup()

_XB = 8192


def _extract_body(p_ref, x_ref, y_ref):
    blk = p_ref[...]
    x_ref[...] = blk[:, 0]
    y_ref[...] = blk[:, 1]


def _extract(pts):
    return pl.pallas_call(
        _extract_body,
        grid=(_N // _XB,),
        in_specs=[pl.BlockSpec((_XB, 2), lambda i: (i, 0))],
        out_specs=[pl.BlockSpec((_XB,), lambda i: (i,)),
                   pl.BlockSpec((_XB,), lambda i: (i,))],
        out_shape=[jax.ShapeDtypeStruct((_N,), jnp.float32)] * 2,
    )(pts)


def kernel(pts, cb0, cb1, cb2, cb3, cb4, cb5, cb6, cb7):
    cbs = [cb0, cb1, cb2, cb3, cb4, cb5, cb6, cb7]
    pieces = []
    for f in range(2):
        for l, cb in enumerate(cbs):
            col = jnp.ravel(cb[:, f])
            pad = _SIZES_P[l] - col.shape[0]
            if pad:
                col = jnp.concatenate([col, jnp.zeros((pad,), jnp.float32)])
            pieces.append(col)
    cbcat = jnp.concatenate(pieces)
    xs, ys = _extract(pts)
    return _lookup(xs, ys, cbcat)

# --- scband reference (transcript-rebuilt; emitter-appended) ---
"""Pipeline reference for scband-dense-grid-32177894982357 (READ-ONLY COPY).

The authoritative reference and input builder live on the scoring server;
editing this copy changes nothing except your own understanding.
"""

import jax, jax.numpy as jnp
import numpy as np
import math

BASE_RES = 16
MAX_RES = 256
NUM_LOD = 8
FEAT_DIM = 2
N_PTS = 1048576
_growth = np.exp((math.log(MAX_RES) - math.log(BASE_RES)) / (NUM_LOD - 1))
LODS = [int(BASE_RES * _growth ** L) for L in range(NUM_LOD)]


def setup_inputs(seed: int = 0) -> dict:
    key = jax.random.key(seed)
    keys = jax.random.split(key, NUM_LOD + 1)
    inp = {}
    inp["pts"] = jax.random.uniform(keys[0], (N_PTS, 2), dtype=jnp.float32)
    for i, res in enumerate(LODS):
        inp[f"cb{i}"] = jax.random.normal(keys[i + 1], (res * res, FEAT_DIM), dtype=jnp.float32) * 0.01
    return inp


def reference(pts, cb0, cb1, cb2, cb3, cb4, cb5, cb6, cb7):
    cbs = [cb0, cb1, cb2, cb3, cb4, cb5, cb6, cb7]
    feats = []
    for i, res in enumerate(LODS):
        x = jnp.floor(pts[:, 0] * (res - 1)).astype(jnp.int32)
        y = jnp.floor(pts[:, 1] * (res - 1)).astype(jnp.int32)
        idx = x + y * res
        features = jnp.take(cbs[i], idx, axis=0)
        feats.append(features[..., None])
    all_features = jnp.concatenate(feats, axis=-1)
    return all_features.reshape(-1, NUM_LOD * FEAT_DIM)

if __name__ == "__main__":
    import jax
    _d = setup_inputs()
    print(jax.jit(kernel)(*tuple(_d.values())))

</pallas_src>

<mosaic_0001>
#map = affine_map<(d0, d1) -> (0)>
#map1 = affine_map<(d0, d1) -> (0, 0)>
module attributes {stable_mosaic.version = 14 : i64} {
  func.func @lookup(%arg0: i32, %arg1: i32, %arg2: memref<1048576xf32, #tpu.memory_space<hbm>>, %arg3: memref<1048576xf32, #tpu.memory_space<hbm>>, %arg4: memref<238336xf32, #tpu.memory_space<hbm>>, %arg5: memref<1048576x16xf32, #tpu.memory_space<hbm>>, %arg6: memref<48096xf32, #tpu.memory_space<vmem>>, %arg7: memref<1024xf32, #tpu.memory_space<vmem>>, %arg8: memref<1024xf32, #tpu.memory_space<vmem>>, %arg9: memref<4096xi32, #tpu.memory_space<vmem>>, %arg10: memref<4096xf32, #tpu.memory_space<vmem>>, %arg11: memref<1024x16xf32, #tpu.memory_space<vmem>>, %arg12: memref<4096xi32, #tpu.memory_space<vmem>>, %arg13: memref<4096xf32, #tpu.memory_space<vmem>>, %arg14: memref<1024x16xf32, #tpu.memory_space<vmem>>, %arg15: memref<190240xf32, #tpu.memory_space<vmem_shared>>, %arg16: memref<!tpu.dma_semaphore, #tpu.memory_space<semaphore_mem>>, %arg17: memref<!tpu.dma_semaphore, #tpu.memory_space<semaphore_mem>>) attributes {dimension_semantics = [#tpu.dimension_semantics<core_parallel>, #tpu.dimension_semantics<subcore_parallel>], iteration_bounds = array<i64: 2, 16>, scalar_prefetch = 0 : i64, scratch_operands = 12 : i64, tpu.core_type = #tpu.core_type<sc_vector_subcore>, window_params = [{transform_indices = #map}, {transform_indices = #map}, {transform_indices = #map}, {transform_indices = #map1}]} {
    %mul3A = arith.constant 2 : i32
    %mul3A_0 = arith.muli %arg1, %mul3A : i32
    %add3A = arith.addi %mul3A_0, %arg0 : i32
    %iota3A = tpu.iota {dimensions = array<i32: 0>} : vector<16xi32>
    %mul3A_1 = arith.constant 0 : i32
    %mul3A_2 = vector.broadcast %mul3A_1 : i32 to vector<16xi32>
    %mul3A_3 = arith.muli %iota3A, %mul3A_2 : vector<16xi32>
    %add3A_4 = arith.constant 1 : i32
    %add3A_5 = vector.broadcast %add3A_4 : i32 to vector<16xi32>
    %add3A_6 = arith.addi %mul3A_3, %add3A_5 : vector<16xi32>
    %add3A_7 = arith.constant 0 : i32
    %add3A_8 = vector.broadcast %add3A_7 : i32 to vector<16xi32>
    %add3A_9 = arith.addi %mul3A_3, %add3A_8 : vector<16xi32>
    %add3A_10 = arith.constant 1 : i32
    %add3A_11 = vector.broadcast %add3A_10 : i32 to vector<16xi32>
    %add3A_12 = arith.addi %mul3A_3, %add3A_11 : vector<16xi32>
    %add3A_13 = arith.constant 2 : i32
    %add3A_14 = vector.broadcast %add3A_13 : i32 to vector<16xi32>
    %add3A_15 = arith.addi %mul3A_3, %add3A_14 : vector<16xi32>
    %add3A_16 = arith.constant 3 : i32
    %add3A_17 = vector.broadcast %add3A_16 : i32 to vector<16xi32>
    %add3A_18 = arith.addi %mul3A_3, %add3A_17 : vector<16xi32>
    %add3A_19 = arith.constant 4 : i32
    %add3A_20 = vector.broadcast %add3A_19 : i32 to vector<16xi32>
    %add3A_21 = arith.addi %mul3A_3, %add3A_20 : vector<16xi32>
    %add3A_22 = arith.constant 5 : i32
    %add3A_23 = vector.broadcast %add3A_22 : i32 to vector<16xi32>
    %add3A_24 = arith.addi %mul3A_3, %add3A_23 : vector<16xi32>
    %add3A_25 = arith.constant 6 : i32
    %add3A_26 = vector.broadcast %add3A_25 : i32 to vector<16xi32>
    %add3A_27 = arith.addi %mul3A_3, %add3A_26 : vector<16xi32>
    %add3A_28 = arith.constant 7 : i32
    %add3A_29 = vector.broadcast %add3A_28 : i32 to vector<16xi32>
    %add3A_30 = arith.addi %mul3A_3, %add3A_29 : vector<16xi32>
    %add3A_31 = arith.constant 8 : i32
    %add3A_32 = vector.broadcast %add3A_31 : i32 to vector<16xi32>
    %add3A_33 = arith.addi %mul3A_3, %add3A_32 : vector<16xi32>
    %add3A_34 = arith.constant 9 : i32
    %add3A_35 = vector.broadcast %add3A_34 : i32 to vector<16xi32>
    %add3A_36 = arith.addi %mul3A_3, %add3A_35 : vector<16xi32>
    %add3A_37 = arith.constant 10 : i32
    %add3A_38 = vector.broadcast %add3A_37 : i32 to vector<16xi32>
    %add3A_39 = arith.addi %mul3A_3, %add3A_38 : vector<16xi32>
    %add3A_40 = arith.constant 11 : i32
    %add3A_41 = vector.broadcast %add3A_40 : i32 to vector<16xi32>
    %add3A_42 = arith.addi %mul3A_3, %add3A_41 : vector<16xi32>
    %add3A_43 = arith.constant 12 : i32
    %add3A_44 = vector.broadcast %add3A_43 : i32 to vector<16xi32>
    %add3A_45 = arith.addi %mul3A_3, %add3A_44 : vector<16xi32>
    %add3A_46 = arith.constant 13 : i32
    %add3A_47 = vector.broadcast %add3A_46 : i32 to vector<16xi32>
    %add3A_48 = arith.addi %mul3A_3, %add3A_47 : vector<16xi32>
    %add3A_49 = arith.constant 14 : i32
    %add3A_50 = vector.broadcast %add3A_49 : i32 to vector<16xi32>
    %add3A_51 = arith.addi %mul3A_3, %add3A_50 : vector<16xi32>
    %add3A_52 = arith.constant 15 : i32
    %add3A_53 = vector.broadcast %add3A_52 : i32 to vector<16xi32>
    %add3A_54 = arith.addi %mul3A_3, %add3A_53 : vector<16xi32>
    "tpu.region"() ({
      %run_scoped3A = tpu.sem_alloc : memref<!tpu.dma_semaphore, #tpu.memory_space<semaphore_mem>>
      %dma_start3A = arith.constant 0 : i32
      %dma_start3A_62 = tpu.memref_slice %arg6[%dma_start3A] : memref<48096xf32, #tpu.memory_space<vmem>> -> memref<24048xf32, #tpu.memory_space<vmem>>
      %dma_start3A_63 = arith.constant 0 : i32
      %dma_start3A_64 = tpu.memref_slice %arg4[%dma_start3A_63] : memref<238336xf32, #tpu.memory_space<hbm>> -> memref<24048xf32, #tpu.memory_space<hbm>>
      %dma_start3A_65 = arith.constant 0 : i32
      %dma_start3A_66 = tpu.memref_slice %arg6[%dma_start3A_65] : memref<48096xf32, #tpu.memory_space<vmem>> -> memref<24048xf32, #tpu.memory_space<vmem>>
      %dma_start3A_67 = arith.constant 0 : i32
      %dma_start3A_68 = tpu.memref_slice %arg4[%dma_start3A_67] : memref<238336xf32, #tpu.memory_space<hbm>> -> memref<24048xf32, #tpu.memory_space<hbm>>
      tpu.enqueue_dma source(%dma_start3A_68 : memref<24048xf32, #tpu.memory_space<hbm>>) target(%dma_start3A_66 : memref<24048xf32, #tpu.memory_space<vmem>>) target_semaphore(%run_scoped3A : memref<!tpu.dma_semaphore, #tpu.memory_space<semaphore_mem>>)
      %dma_wait3A = arith.constant 0 : i32
      %dma_wait3A_69 = tpu.memref_slice %arg6[%dma_wait3A] : memref<48096xf32, #tpu.memory_space<vmem>> -> memref<24048xf32, #tpu.memory_space<vmem>>
      %dma_wait3A_70 = arith.constant 0 : i32
      %dma_wait3A_71 = tpu.memref_slice %arg4[%dma_wait3A_70] : memref<238336xf32, #tpu.memory_space<hbm>> -> memref<24048xf32, #tpu.memory_space<hbm>>
      %dma_wait3A_72 = arith.constant 0 : i32
      %dma_wait3A_73 = tpu.memref_slice %arg6[%dma_wait3A_72] : memref<48096xf32, #tpu.memory_space<vmem>> -> memref<24048xf32, #tpu.memory_space<vmem>>
      %dma_wait3A_74 = arith.constant 0 : i32
      %dma_wait3A_75 = tpu.memref_slice %arg4[%dma_wait3A_74] : memref<238336xf32, #tpu.memory_space<hbm>> -> memref<24048xf32, #tpu.memory_space<hbm>>
      tpu.wait_dma2 semaphore(%run_scoped3A : memref<!tpu.dma_semaphore, #tpu.memory_space<semaphore_mem>>) src(%dma_wait3A_75 : memref<24048xf32, #tpu.memory_space<hbm>>) dst(%dma_wait3A_73 : memref<24048xf32, #tpu.memory_space<vmem>>)
      tpu.yield
    }) : () -> ()
    "tpu.region"() ({
      %run_scoped3A = tpu.sem_alloc : memref<!tpu.dma_semaphore, #tpu.memory_space<semaphore_mem>>
      %dma_start3A = arith.constant 24048 : i32
      %dma_start3A_62 = tpu.memref_slice %arg6[%dma_start3A] : memref<48096xf32, #tpu.memory_space<vmem>> -> memref<24048xf32, #tpu.memory_space<vmem>>
      %dma_start3A_63 = arith.constant 119168 : i32
      %dma_start3A_64 = tpu.memref_slice %arg4[%dma_start3A_63] : memref<238336xf32, #tpu.memory_space<hbm>> -> memref<24048xf32, #tpu.memory_space<hbm>>
      %dma_start3A_65 = arith.constant 24048 : i32
      %dma_start3A_66 = tpu.memref_slice %arg6[%dma_start3A_65] : memref<48096xf32, #tpu.memory_space<vmem>> -> memref<24048xf32, #tpu.memory_space<vmem>>
      %dma_start3A_67 = arith.constant 119168 : i32
      %dma_start3A_68 = tpu.memref_slice %arg4[%dma_start3A_67] : memref<238336xf32, #tpu.memory_space<hbm>> -> memref<24048xf32, #tpu.memory_space<hbm>>
      tpu.enqueue_dma source(%dma_start3A_68 : memref<24048xf32, #tpu.memory_space<hbm>>) target(%dma_start3A_66 : memref<24048xf32, #tpu.memory_space<vmem>>) target_semaphore(%run_scoped3A : memref<!tpu.dma_semaphore, #tpu.memory_space<semaphore_mem>>)
      %dma_wait3A = arith.constant 24048 : i32
      %dma_wait3A_69 = tpu.memref_slice %arg6[%dma_wait3A] : memref<48096xf32, #tpu.memory_space<vmem>> -> memref<24048xf32, #tpu.memory_space<vmem>>
      %dma_wait3A_70 = arith.constant 119168 : i32
      %dma_wait3A_71 = tpu.memref_slice %arg4[%dma_wait3A_70] : memref<238336xf32, #tpu.memory_space<hbm>> -> memref<24048xf32, #tpu.memory_space<hbm>>
      %dma_wait3A_72 = arith.constant 24048 : i32
      %dma_wait3A_73 = tpu.memref_slice %arg6[%dma_wait3A_72] : memref<48096xf32, #tpu.memory_space<vmem>> -> memref<24048xf32, #tpu.memory_space<vmem>>
      %dma_wait3A_74 = arith.constant 119168 : i32
      %dma_wait3A_75 = tpu.memref_slice %arg4[%dma_wait3A_74] : memref<238336xf32, #tpu.memory_space<hbm>> -> memref<24048xf32, #tpu.memory_space<hbm>>
      tpu.wait_dma2 semaphore(%run_scoped3A : memref<!tpu.dma_semaphore, #tpu.memory_space<semaphore_mem>>) src(%dma_wait3A_75 : memref<24048xf32, #tpu.memory_space<hbm>>) dst(%dma_wait3A_73 : memref<24048xf32, #tpu.memory_space<vmem>>)
      tpu.yield
    }) : () -> ()
    %eq3A = arith.constant 0 : i32
    %eq3A_55 = arith.cmpi eq, %arg1, %eq3A : i32
    %convert_element_type3A = arith.extui %eq3A_55 : i1 to i32
    %cond3A = arith.constant 0 : i32
    %cond3A_56 = arith.cmpi ne, %convert_element_type3A, %cond3A : i32
    scf.if %cond3A_56 {
      "tpu.region"() ({
        %run_scoped3A = tpu.sem_alloc : memref<!tpu.dma_semaphore, #tpu.memory_space<semaphore_mem>>
        %dma_start3A = arith.constant 0 : i32
        %dma_start3A_62 = tpu.memref_slice %arg15[%dma_start3A] : memref<190240xf32, #tpu.memory_space<vmem_shared>> -> memref<29584xf32, #tpu.memory_space<vmem_shared>>
        %dma_start3A_63 = arith.constant 24048 : i32
        %dma_start3A_64 = tpu.memref_slice %arg4[%dma_start3A_63] : memref<238336xf32, #tpu.memory_space<hbm>> -> memref<29584xf32, #tpu.memory_space<hbm>>
        tpu.enqueue_dma source(%dma_start3A_64 : memref<29584xf32, #tpu.memory_space<hbm>>) target(%dma_start3A_62 : memref<29584xf32, #tpu.memory_space<vmem_shared>>) target_semaphore(%run_scoped3A : memref<!tpu.dma_semaphore, #tpu.memory_space<semaphore_mem>>)
        %dma_wait3A = arith.constant 0 : i32
        %dma_wait3A_65 = tpu.memref_slice %arg15[%dma_wait3A] : memref<190240xf32, #tpu.memory_space<vmem_shared>> -> memref<29584xf32, #tpu.memory_space<vmem_shared>>
        %dma_wait3A_66 = arith.constant 24048 : i32
        %dma_wait3A_67 = tpu.memref_slice %arg4[%dma_wait3A_66] : memref<238336xf32, #tpu.memory_space<hbm>> -> memref<29584xf32, #tpu.memory_space<hbm>>
        tpu.wait_dma2 semaphore(%run_scoped3A : memref<!tpu.dma_semaphore, #tpu.memory_space<semaphore_mem>>) src(%dma_wait3A_67 : memref<29584xf32, #tpu.memory_space<hbm>>) dst(%dma_wait3A_65 : memref<29584xf32, #tpu.memory_space<vmem_shared>>)
        tpu.yield
      }) : () -> ()
      "tpu.region"() ({
        %run_scoped3A = tpu.sem_alloc : memref<!tpu.dma_semaphore, #tpu.memory_space<semaphore_mem>>
        %dma_start3A = arith.constant 29584 : i32
        %dma_start3A_62 = tpu.memref_slice %arg15[%dma_start3A] : memref<190240xf32, #tpu.memory_space<vmem_shared>> -> memref<29584xf32, #tpu.memory_space<vmem_shared>>
        %dma_start3A_63 = arith.constant 143216 : i32
        %dma_start3A_64 = tpu.memref_slice %arg4[%dma_start3A_63] : memref<238336xf32, #tpu.memory_space<hbm>> -> memref<29584xf32, #tpu.memory_space<hbm>>
        tpu.enqueue_dma source(%dma_start3A_64 : memref<29584xf32, #tpu.memory_space<hbm>>) target(%dma_start3A_62 : memref<29584xf32, #tpu.memory_space<vmem_shared>>) target_semaphore(%run_scoped3A : memref<!tpu.dma_semaphore, #tpu.memory_space<semaphore_mem>>)
        %dma_wait3A = arith.constant 29584 : i32
        %dma_wait3A_65 = tpu.memref_slice %arg15[%dma_wait3A] : memref<190240xf32, #tpu.memory_space<vmem_shared>> -> memref<29584xf32, #tpu.memory_space<vmem_shared>>
        %dma_wait3A_66 = arith.constant 143216 : i32
        %dma_wait3A_67 = tpu.memref_slice %arg4[%dma_wait3A_66] : memref<238336xf32, #tpu.memory_space<hbm>> -> memref<29584xf32, #tpu.memory_space<hbm>>
        tpu.wait_dma2 semaphore(%run_scoped3A : memref<!tpu.dma_semaphore, #tpu.memory_space<semaphore_mem>>) src(%dma_wait3A_67 : memref<29584xf32, #tpu.memory_space<hbm>>) dst(%dma_wait3A_65 : memref<29584xf32, #tpu.memory_space<vmem_shared>>)
        tpu.yield
      }) : () -> ()
      "tpu.region"() ({
        %run_scoped3A = tpu.sem_alloc : memref<!tpu.dma_semaphore, #tpu.memory_space<semaphore_mem>>
        %dma_start3A = arith.constant 59168 : i32
        %dma_start3A_62 = tpu.memref_slice %arg15[%dma_start3A] : memref<190240xf32, #tpu.memory_space<vmem_shared>> -> memref<65536xf32, #tpu.memory_space<vmem_shared>>
        %dma_start3A_63 = arith.constant 53632 : i32
        %dma_start3A_64 = tpu.memref_slice %arg4[%dma_start3A_63] : memref<238336xf32, #tpu.memory_space<hbm>> -> memref<65536xf32, #tpu.memory_space<hbm>>
        tpu.enqueue_dma source(%dma_start3A_64 : memref<65536xf32, #tpu.memory_space<hbm>>) target(%dma_start3A_62 : memref<65536xf32, #tpu.memory_space<vmem_shared>>) target_semaphore(%run_scoped3A : memref<!tpu.dma_semaphore, #tpu.memory_space<semaphore_mem>>)
        %dma_wait3A = arith.constant 59168 : i32
        %dma_wait3A_65 = tpu.memref_slice %arg15[%dma_wait3A] : memref<190240xf32, #tpu.memory_space<vmem_shared>> -> memref<65536xf32, #tpu.memory_space<vmem_shared>>
        %dma_wait3A_66 = arith.constant 53632 : i32
        %dma_wait3A_67 = tpu.memref_slice %arg4[%dma_wait3A_66] : memref<238336xf32, #tpu.memory_space<hbm>> -> memref<65536xf32, #tpu.memory_space<hbm>>
        tpu.wait_dma2 semaphore(%run_scoped3A : memref<!tpu.dma_semaphore, #tpu.memory_space<semaphore_mem>>) src(%dma_wait3A_67 : memref<65536xf32, #tpu.memory_space<hbm>>) dst(%dma_wait3A_65 : memref<65536xf32, #tpu.memory_space<vmem_shared>>)
        tpu.yield
      }) : () -> ()
      "tpu.region"() ({
        %run_scoped3A = tpu.sem_alloc : memref<!tpu.dma_semaphore, #tpu.memory_space<semaphore_mem>>
        %dma_start3A = arith.constant 124704 : i32
        %dma_start3A_62 = tpu.memref_slice %arg15[%dma_start3A] : memref<190240xf32, #tpu.memory_space<vmem_shared>> -> memref<65536xf32, #tpu.memory_space<vmem_shared>>
        %dma_start3A_63 = arith.constant 172800 : i32
        %dma_start3A_64 = tpu.memref_slice %arg4[%dma_start3A_63] : memref<238336xf32, #tpu.memory_space<hbm>> -> memref<65536xf32, #tpu.memory_space<hbm>>
        tpu.enqueue_dma source(%dma_start3A_64 : memref<65536xf32, #tpu.memory_space<hbm>>) target(%dma_start3A_62 : memref<65536xf32, #tpu.memory_space<vmem_shared>>) target_semaphore(%run_scoped3A : memref<!tpu.dma_semaphore, #tpu.memory_space<semaphore_mem>>)
        %dma_wait3A = arith.constant 124704 : i32
        %dma_wait3A_65 = tpu.memref_slice %arg15[%dma_wait3A] : memref<190240xf32, #tpu.memory_space<vmem_shared>> -> memref<65536xf32, #tpu.memory_space<vmem_shared>>
        %dma_wait3A_66 = arith.constant 172800 : i32
        %dma_wait3A_67 = tpu.memref_slice %arg4[%dma_wait3A_66] : memref<238336xf32, #tpu.memory_space<hbm>> -> memref<65536xf32, #tpu.memory_space<hbm>>
        tpu.wait_dma2 semaphore(%run_scoped3A : memref<!tpu.dma_semaphore, #tpu.memory_space<semaphore_mem>>) src(%dma_wait3A_67 : memref<65536xf32, #tpu.memory_space<hbm>>) dst(%dma_wait3A_65 : memref<65536xf32, #tpu.memory_space<vmem_shared>>)
        tpu.yield
      }) : () -> ()
    } else {
    }
    %barrier3A = arith.constant 0 : index
    tpu.barrier barrier_id(%barrier3A)
    %scan3A = arith.constant 0 : i32
    %scan3A_57 = arith.constant 0 : i32
    %scan3A_58 = arith.constant 16 : i32
    %scan3A_59 = arith.addi %scan3A_57, %scan3A_58 : i32
    %scan3A_60 = arith.constant 1 : i32
    scf.for %scan3A_62 = %scan3A_57 to %scan3A_59 step %scan3A_60  : i32 {
      %mul3A_63 = arith.constant 2 : i32
      %mul3A_64 = arith.muli %scan3A_62, %mul3A_63 : i32
      %add3A_65 = arith.constant 1 : i32
      %add3A_66 = arith.addi %mul3A_64, %add3A_65 : i32
      %mul3A_67 = arith.constant 32768 : i32
      %mul3A_68 = arith.muli %add3A, %mul3A_67 : i32
      %mul3A_69 = arith.constant 1024 : i32
      %mul3A_70 = arith.muli %mul3A_64, %mul3A_69 : i32
      %add3A_71 = arith.addi %mul3A_68, %mul3A_70 : i32
      %multiple_of3A = tpu.assume_multiple %add3A_71, 1024 : i32
      "tpu.region"() ({
        %run_scoped3A = tpu.sem_alloc : memref<!tpu.dma_semaphore, #tpu.memory_space<semaphore_mem>>
        %dma_start3A_120 = tpu.memref_slice %arg2[%multiple_of3A] : memref<1048576xf32, #tpu.memory_space<hbm>> -> memref<1024xf32, #tpu.memory_space<hbm>>
        %dma_start3A_121 = tpu.memref_slice %arg2[%multiple_of3A] : memref<1048576xf32, #tpu.memory_space<hbm>> -> memref<1024xf32, #tpu.memory_space<hbm>>
        tpu.enqueue_dma source(%dma_start3A_121 : memref<1024xf32, #tpu.memory_space<hbm>>) target(%arg7 : memref<1024xf32, #tpu.memory_space<vmem>>) target_semaphore(%run_scoped3A : memref<!tpu.dma_semaphore, #tpu.memory_space<semaphore_mem>>)
        %dma_wait3A_122 = tpu.memref_slice %arg2[%multiple_of3A] : memref<1048576xf32, #tpu.memory_space<hbm>> -> memref<1024xf32, #tpu.memory_space<hbm>>
        %dma_wait3A_123 = tpu.memref_slice %arg2[%multiple_of3A] : memref<1048576xf32, #tpu.memory_space<hbm>> -> memref<1024xf32, #tpu.memory_space<hbm>>
        tpu.wait_dma2 semaphore(%run_scoped3A : memref<!tpu.dma_semaphore, #tpu.memory_space<semaphore_mem>>) src(%dma_wait3A_123 : memref<1024xf32, #tpu.memory_space<hbm>>) dst(%arg7 : memref<1024xf32, #tpu.memory_space<vmem>>)
        tpu.yield
      }) : () -> ()
      "tpu.region"() ({
        %run_scoped3A = tpu.sem_alloc : memref<!tpu.dma_semaphore, #tpu.memory_space<semaphore_mem>>
        %dma_start3A_120 = tpu.memref_slice %arg3[%multiple_of3A] : memref<1048576xf32, #tpu.memory_space<hbm>> -> memref<1024xf32, #tpu.memory_space<hbm>>
        %dma_start3A_121 = tpu.memref_slice %arg3[%multiple_of3A] : memref<1048576xf32, #tpu.memory_space<hbm>> -> memref<1024xf32, #tpu.memory_space<hbm>>
        tpu.enqueue_dma source(%dma_start3A_121 : memref<1024xf32, #tpu.memory_space<hbm>>) target(%arg8 : memref<1024xf32, #tpu.memory_space<vmem>>) target_semaphore(%run_scoped3A : memref<!tpu.dma_semaphore, #tpu.memory_space<semaphore_mem>>)
        %dma_wait3A_122 = tpu.memref_slice %arg3[%multiple_of3A] : memref<1048576xf32, #tpu.memory_space<hbm>> -> memref<1024xf32, #tpu.memory_space<hbm>>
        %dma_wait3A_123 = tpu.memref_slice %arg3[%multiple_of3A] : memref<1048576xf32, #tpu.memory_space<hbm>> -> memref<1024xf32, #tpu.memory_space<hbm>>
        tpu.wait_dma2 semaphore(%run_scoped3A : memref<!tpu.dma_semaphore, #tpu.memory_space<semaphore_mem>>) src(%dma_wait3A_123 : memref<1024xf32, #tpu.memory_space<hbm>>) dst(%arg8 : memref<1024xf32, #tpu.memory_space<vmem>>)
        tpu.yield
      }) : () -> ()
      %scan3A_72 = arith.constant 0 : i32
      %scan3A_73 = arith.constant 0 : i32
      %scan3A_74 = arith.constant 64 : i32
      %scan3A_75 = arith.addi %scan3A_73, %scan3A_74 : i32
      %scan3A_76 = arith.constant 2 : i32
      scf.for %scan3A_120 = %scan3A_73 to %scan3A_75 step %scan3A_76  : i32 {
        %mul3A_121 = arith.constant 16 : i32
        %mul3A_122 = arith.muli %scan3A_120, %mul3A_121 : i32
        %add3A_123 = vector.broadcast %mul3A_122 : i32 to vector<16xi32>
        %add3A_124 = arith.addi %iota3A, %add3A_123 : vector<16xi32>
        %mul3A_125 = arith.constant 16 : i32
        %mul3A_126 = arith.muli %scan3A_120, %mul3A_125 : i32
        %get3A = arith.index_cast %mul3A_126 : i32 to index
        %get3A_127 = tpu.vector_load %arg7[%get3A] {strides = array<i32>} : memref<1024xf32, #tpu.memory_space<vmem>>, vector<16xf32>,
        %mul3A_128 = arith.constant 16 : i32
        %mul3A_129 = arith.muli %scan3A_120, %mul3A_128 : i32
        %get3A_130 = arith.index_cast %mul3A_129 : i32 to index
        %get3A_131 = tpu.vector_load %arg8[%get3A_130] {strides = array<i32>} : memref<1024xf32, #tpu.memory_space<vmem>>, vector<16xf32>,
        %mul3A_132 = arith.constant 1.500000e+01 : f32
        %mul3A_133 = vector.broadcast %mul3A_132 : f32 to vector<16xf32>
        %mul3A_134 = arith.mulf %get3A_127, %mul3A_133 : vector<16xf32>
        %convert_element_type3A_135 = arith.fptosi %mul3A_134 : vector<16xf32> to vector<16xi32>
        %mul3A_136 = arith.constant 1.500000e+01 : f32
        %mul3A_137 = vector.broadcast %mul3A_136 : f32 to vector<16xf32>
        %mul3A_138 = arith.mulf %get3A_131, %mul3A_137 : vector<16xf32>
        %convert_element_type3A_139 = arith.fptosi %mul3A_138 : vector<16xf32> to vector<16xi32>
        %mul3A_140 = arith.constant 16 : i32
        %mul3A_141 = vector.broadcast %mul3A_140 : i32 to vector<16xi32>
        %mul3A_142 = arith.muli %convert_element_type3A_139, %mul3A_141 : vector<16xi32>
        %add3A_143 = arith.addi %convert_element_type3A_135, %mul3A_142 : vector<16xi32>
        %add3A_144 = arith.constant 0 : i32
        %add3A_145 = vector.broadcast %add3A_144 : i32 to vector<16xi32>
        %add3A_146 = arith.addi %add3A_143, %add3A_145 : vector<16xi32>
        %gather3A = tpu.vector_load_idx %arg6[%add3A_146] : memref<48096xf32, #tpu.memory_space<vmem>>[vector<16xi32>], vector<16xf32>,
        tpu.vector_store_idx %arg11[%add3A_124, %add3A_9], %gather3A : memref<1024x16xf32, #tpu.memory_space<vmem>>[vector<16xi32>, vector<16xi32>], vector<16xf32>,
        %add3A_147 = arith.constant 24048 : i32
        %add3A_148 = vector.broadcast %add3A_147 : i32 to vector<16xi32>
        %add3A_149 = arith.addi %add3A_143, %add3A_148 : vector<16xi32>
        %gather3A_150 = tpu.vector_load_idx %arg6[%add3A_149] : memref<48096xf32, #tpu.memory_space<vmem>>[vector<16xi32>], vector<16xf32>,
        tpu.vector_store_idx %arg11[%add3A_124, %add3A_33], %gather3A_150 : memref<1024x16xf32, #tpu.memory_space<vmem>>[vector<16xi32>, vector<16xi32>], vector<16xf32>,
        %mul3A_151 = arith.constant 2.200000e+01 : f32
        %mul3A_152 = vector.broadcast %mul3A_151 : f32 to vector<16xf32>
        %mul3A_153 = arith.mulf %get3A_127, %mul3A_152 : vector<16xf32>
        %convert_element_type3A_154 = arith.fptosi %mul3A_153 : vector<16xf32> to vector<16xi32>
        %mul3A_155 = arith.constant 2.200000e+01 : f32
        %mul3A_156 = vector.broadcast %mul3A_155 : f32 to vector<16xf32>
        %mul3A_157 = arith.mulf %get3A_131, %mul3A_156 : vector<16xf32>
        %convert_element_type3A_158 = arith.fptosi %mul3A_157 : vector<16xf32> to vector<16xi32>
        %mul3A_159 = arith.constant 23 : i32
        %mul3A_160 = vector.broadcast %mul3A_159 : i32 to vector<16xi32>
        %mul3A_161 = arith.muli %convert_element_type3A_158, %mul3A_160 : vector<16xi32>
        %add3A_162 = arith.addi %convert_element_type3A_154, %mul3A_161 : vector<16xi32>
        %add3A_163 = arith.constant 256 : i32
        %add3A_164 = vector.broadcast %add3A_163 : i32 to vector<16xi32>
        %add3A_165 = arith.addi %add3A_162, %add3A_164 : vector<16xi32>
        %gather3A_166 = tpu.vector_load_idx %arg6[%add3A_165] : memref<48096xf32, #tpu.memory_space<vmem>>[vector<16xi32>], vector<16xf32>,
        tpu.vector_store_idx %arg11[%add3A_124, %add3A_12], %gather3A_166 : memref<1024x16xf32, #tpu.memory_space<vmem>>[vector<16xi32>, vector<16xi32>], vector<16xf32>,
        %add3A_167 = arith.constant 24304 : i32
        %add3A_168 = vector.broadcast %add3A_167 : i32 to vector<16xi32>
        %add3A_169 = arith.addi %add3A_162, %add3A_168 : vector<16xi32>
        %gather3A_170 = tpu.vector_load_idx %arg6[%add3A_169] : memref<48096xf32, #tpu.memory_space<vmem>>[vector<16xi32>], vector<16xf32>,
        tpu.vector_store_idx %arg11[%add3A_124, %add3A_36], %gather3A_170 : memref<1024x16xf32, #tpu.memory_space<vmem>>[vector<16xi32>, vector<16xi32>], vector<16xf32>,
        %mul3A_171 = arith.constant 3.400000e+01 : f32
        %mul3A_172 = vector.broadcast %mul3A_171 : f32 to vector<16xf32>
        %mul3A_173 = arith.mulf %get3A_127, %mul3A_172 : vector<16xf32>
        %convert_element_type3A_174 = arith.fptosi %mul3A_173 : vector<16xf32> to vector<16xi32>
        %mul3A_175 = arith.constant 3.400000e+01 : f32
        %mul3A_176 = vector.broadcast %mul3A_175 : f32 to vector<16xf32>
        %mul3A_177 = arith.mulf %get3A_131, %mul3A_176 : vector<16xf32>
        %convert_element_type3A_178 = arith.fptosi %mul3A_177 : vector<16xf32> to vector<16xi32>
        %mul3A_179 = arith.constant 35 : i32
        %mul3A_180 = vector.broadcast %mul3A_179 : i32 to vector<16xi32>
        %mul3A_181 = arith.muli %convert_element_type3A_178, %mul3A_180 : vector<16xi32>
        %add3A_182 = arith.addi %convert_element_type3A_174, %mul3A_181 : vector<16xi32>
        %add3A_183 = arith.constant 792 : i32
        %add3A_184 = vector.broadcast %add3A_183 : i32 to vector<16xi32>
        %add3A_185 = arith.addi %add3A_182, %add3A_184 : vector<16xi32>
        %gather3A_186 = tpu.vector_load_idx %arg6[%add3A_185] : memref<48096xf32, #tpu.memory_space<vmem>>[vector<16xi32>], vector<16xf32>,
        tpu.vector_store_idx %arg11[%add3A_124, %add3A_15], %gather3A_186 : memref<1024x16xf32, #tpu.memory_space<vmem>>[vector<16xi32>, vector<16xi32>], vector<16xf32>,
        %add3A_187 = arith.constant 24840 : i32
        %add3A_188 = vector.broadcast %add3A_187 : i32 to vector<16xi32>
        %add3A_189 = arith.addi %add3A_182, %add3A_188 : vector<16xi32>
        %gather3A_190 = tpu.vector_load_idx %arg6[%add3A_189] : memref<48096xf32, #tpu.memory_space<vmem>>[vector<16xi32>], vector<16xf32>,
        tpu.vector_store_idx %arg11[%add3A_124, %add3A_39], %gather3A_190 : memref<1024x16xf32, #tpu.memory_space<vmem>>[vector<16xi32>, vector<16xi32>], vector<16xf32>,
        %mul3A_191 = arith.constant 5.100000e+01 : f32
        %mul3A_192 = vector.broadcast %mul3A_191 : f32 to vector<16xf32>
        %mul3A_193 = arith.mulf %get3A_127, %mul3A_192 : vector<16xf32>
        %convert_element_type3A_194 = arith.fptosi %mul3A_193 : vector<16xf32> to vector<16xi32>
        %mul3A_195 = arith.constant 5.100000e+01 : f32
        %mul3A_196 = vector.broadcast %mul3A_195 : f32 to vector<16xf32>
        %mul3A_197 = arith.mulf %get3A_131, %mul3A_196 : vector<16xf32>
        %convert_element_type3A_198 = arith.fptosi %mul3A_197 : vector<16xf32> to vector<16xi32>
        %mul3A_199 = arith.constant 52 : i32
        %mul3A_200 = vector.broadcast %mul3A_199 : i32 to vector<16xi32>
        %mul3A_201 = arith.muli %convert_element_type3A_198, %mul3A_200 : vector<16xi32>
        %add3A_202 = arith.addi %convert_element_type3A_194, %mul3A_201 : vector<16xi32>
        %add3A_203 = arith.constant 2024 : i32
        %add3A_204 = vector.broadcast %add3A_203 : i32 to vector<16xi32>
        %add3A_205 = arith.addi %add3A_202, %add3A_204 : vector<16xi32>
        %gather3A_206 = tpu.vector_load_idx %arg6[%add3A_205] : memref<48096xf32, #tpu.memory_space<vmem>>[vector<16xi32>], vector<16xf32>,
        tpu.vector_store_idx %arg11[%add3A_124, %add3A_18], %gather3A_206 : memref<1024x16xf32, #tpu.memory_space<vmem>>[vector<16xi32>, vector<16xi32>], vector<16xf32>,
        %add3A_207 = arith.constant 26072 : i32
        %add3A_208 = vector.broadcast %add3A_207 : i32 to vector<16xi32>
        %add3A_209 = arith.addi %add3A_202, %add3A_208 : vector<16xi32>
        %gather3A_210 = tpu.vector_load_idx %arg6[%add3A_209] : memref<48096xf32, #tpu.memory_space<vmem>>[vector<16xi32>], vector<16xf32>,
        tpu.vector_store_idx %arg11[%add3A_124, %add3A_42], %gather3A_210 : memref<1024x16xf32, #tpu.memory_space<vmem>>[vector<16xi32>, vector<16xi32>], vector<16xf32>,
        %mul3A_211 = arith.constant 7.700000e+01 : f32
        %mul3A_212 = vector.broadcast %mul3A_211 : f32 to vector<16xf32>
        %mul3A_213 = arith.mulf %get3A_127, %mul3A_212 : vector<16xf32>
        %convert_element_type3A_214 = arith.fptosi %mul3A_213 : vector<16xf32> to vector<16xi32>
        %mul3A_215 = arith.constant 7.700000e+01 : f32
        %mul3A_216 = vector.broadcast %mul3A_215 : f32 to vector<16xf32>
        %mul3A_217 = arith.mulf %get3A_131, %mul3A_216 : vector<16xf32>
        %convert_element_type3A_218 = arith.fptosi %mul3A_217 : vector<16xf32> to vector<16xi32>
        %mul3A_219 = arith.constant 78 : i32
        %mul3A_220 = vector.broadcast %mul3A_219 : i32 to vector<16xi32>
        %mul3A_221 = arith.muli %convert_element_type3A_218, %mul3A_220 : vector<16xi32>
        %add3A_222 = arith.addi %convert_element_type3A_214, %mul3A_221 : vector<16xi32>
        %add3A_223 = arith.constant 4728 : i32
        %add3A_224 = vector.broadcast %add3A_223 : i32 to vector<16xi32>
        %add3A_225 = arith.addi %add3A_222, %add3A_224 : vector<16xi32>
        %gather3A_226 = tpu.vector_load_idx %arg6[%add3A_225] : memref<48096xf32, #tpu.memory_space<vmem>>[vector<16xi32>], vector<16xf32>,
        tpu.vector_store_idx %arg11[%add3A_124, %add3A_21], %gather3A_226 : memref<1024x16xf32, #tpu.memory_space<vmem>>[vector<16xi32>, vector<16xi32>], vector<16xf32>,
        %add3A_227 = arith.constant 28776 : i32
        %add3A_228 = vector.broadcast %add3A_227 : i32 to vector<16xi32>
        %add3A_229 = arith.addi %add3A_222, %add3A_228 : vector<16xi32>
        %gather3A_230 = tpu.vector_load_idx %arg6[%add3A_229] : memref<48096xf32, #tpu.memory_space<vmem>>[vector<16xi32>], vector<16xf32>,
        tpu.vector_store_idx %arg11[%add3A_124, %add3A_45], %gather3A_230 : memref<1024x16xf32, #tpu.memory_space<vmem>>[vector<16xi32>, vector<16xi32>], vector<16xf32>,
        %mul3A_231 = arith.constant 1.140000e+02 : f32
        %mul3A_232 = vector.broadcast %mul3A_231 : f32 to vector<16xf32>
        %mul3A_233 = arith.mulf %get3A_127, %mul3A_232 : vector<16xf32>
        %convert_element_type3A_234 = arith.fptosi %mul3A_233 : vector<16xf32> to vector<16xi32>
        %mul3A_235 = arith.constant 1.140000e+02 : f32
        %mul3A_236 = vector.broadcast %mul3A_235 : f32 to vector<16xf32>
        %mul3A_237 = arith.mulf %get3A_131, %mul3A_236 : vector<16xf32>
        %convert_element_type3A_238 = arith.fptosi %mul3A_237 : vector<16xf32> to vector<16xi32>
        %mul3A_239 = arith.constant 115 : i32
        %mul3A_240 = vector.broadcast %mul3A_239 : i32 to vector<16xi32>
        %mul3A_241 = arith.muli %convert_element_type3A_238, %mul3A_240 : vector<16xi32>
        %add3A_242 = arith.addi %convert_element_type3A_234, %mul3A_241 : vector<16xi32>
        %add3A_243 = arith.constant 10816 : i32
        %add3A_244 = vector.broadcast %add3A_243 : i32 to vector<16xi32>
        %add3A_245 = arith.addi %add3A_242, %add3A_244 : vector<16xi32>
        %gather3A_246 = tpu.vector_load_idx %arg6[%add3A_245] : memref<48096xf32, #tpu.memory_space<vmem>>[vector<16xi32>], vector<16xf32>,
        tpu.vector_store_idx %arg11[%add3A_124, %add3A_24], %gather3A_246 : memref<1024x16xf32, #tpu.memory_space<vmem>>[vector<16xi32>, vector<16xi32>], vector<16xf32>,
        %add3A_247 = arith.constant 34864 : i32
        %add3A_248 = vector.broadcast %add3A_247 : i32 to vector<16xi32>
        %add3A_249 = arith.addi %add3A_242, %add3A_248 : vector<16xi32>
        %gather3A_250 = tpu.vector_load_idx %arg6[%add3A_249] : memref<48096xf32, #tpu.memory_space<vmem>>[vector<16xi32>], vector<16xf32>,
        tpu.vector_store_idx %arg11[%add3A_124, %add3A_48], %gather3A_250 : memref<1024x16xf32, #tpu.memory_space<vmem>>[vector<16xi32>, vector<16xi32>], vector<16xf32>,
        %mul3A_251 = arith.constant 1.710000e+02 : f32
        %mul3A_252 = vector.broadcast %mul3A_251 : f32 to vector<16xf32>
        %mul3A_253 = arith.mulf %get3A_127, %mul3A_252 : vector<16xf32>
        %convert_element_type3A_254 = arith.fptosi %mul3A_253 : vector<16xf32> to vector<16xi32>
        %mul3A_255 = arith.constant 1.710000e+02 : f32
        %mul3A_256 = vector.broadcast %mul3A_255 : f32 to vector<16xf32>
        %mul3A_257 = arith.mulf %get3A_131, %mul3A_256 : vector<16xf32>
        %convert_element_type3A_258 = arith.fptosi %mul3A_257 : vector<16xf32> to vector<16xi32>
        %mul3A_259 = arith.constant 172 : i32
        %mul3A_260 = vector.broadcast %mul3A_259 : i32 to vector<16xi32>
        %mul3A_261 = arith.muli %convert_element_type3A_258, %mul3A_260 : vector<16xi32>
        %add3A_262 = arith.addi %convert_element_type3A_254, %mul3A_261 : vector<16xi32>
        %add3A_263 = arith.constant 0 : i32
        %add3A_264 = vector.broadcast %add3A_263 : i32 to vector<16xi32>
        %add3A_265 = arith.addi %add3A_262, %add3A_264 : vector<16xi32>
        %mul3A_266 = arith.constant 16 : i32
        %mul3A_267 = arith.muli %scan3A_120, %mul3A_266 : i32
        %add3A_268 = arith.constant 0 : i32
        %add3A_269 = arith.addi %add3A_268, %mul3A_267 : i32
        %swap3A = arith.index_cast %add3A_269 : i32 to index
        %swap3A_270 = tpu.vector_load %arg9[%swap3A] {strides = array<i32>} : memref<4096xi32, #tpu.memory_space<vmem>>, vector<16xi32>,
        tpu.vector_store %arg9[%swap3A], %add3A_265 {strides = array<i32>} : memref<4096xi32, #tpu.memory_space<vmem>>, vector<16xi32>,
        %add3A_271 = arith.constant 29584 : i32
        %add3A_272 = vector.broadcast %add3A_271 : i32 to vector<16xi32>
        %add3A_273 = arith.addi %add3A_262, %add3A_272 : vector<16xi32>
        %mul3A_274 = arith.constant 16 : i32
        %mul3A_275 = arith.muli %scan3A_120, %mul3A_274 : i32
        %add3A_276 = arith.constant 1024 : i32
        %add3A_277 = arith.addi %add3A_276, %mul3A_275 : i32
        %swap3A_278 = arith.index_cast %add3A_277 : i32 to index
        %swap3A_279 = tpu.vector_load %arg9[%swap3A_278] {strides = array<i32>} : memref<4096xi32, #tpu.memory_space<vmem>>, vector<16xi32>,
        tpu.vector_store %arg9[%swap3A_278], %add3A_273 {strides = array<i32>} : memref<4096xi32, #tpu.memory_space<vmem>>, vector<16xi32>,
        %mul3A_280 = arith.constant 2.550000e+02 : f32
        %mul3A_281 = vector.broadcast %mul3A_280 : f32 to vector<16xf32>
        %mul3A_282 = arith.mulf %get3A_127, %mul3A_281 : vector<16xf32>
        %convert_element_type3A_283 = arith.fptosi %mul3A_282 : vector<16xf32> to vector<16xi32>
        %mul3A_284 = arith.constant 2.550000e+02 : f32
        %mul3A_285 = vector.broadcast %mul3A_284 : f32 to vector<16xf32>
        %mul3A_286 = arith.mulf %get3A_131, %mul3A_285 : vector<16xf32>
        %convert_element_type3A_287 = arith.fptosi %mul3A_286 : vector<16xf32> to vector<16xi32>
        %mul3A_288 = arith.constant 256 : i32
        %mul3A_289 = vector.broadcast %mul3A_288 : i32 to vector<16xi32>
        %mul3A_290 = arith.muli %convert_element_type3A_287, %mul3A_289 : vector<16xi32>
        %add3A_291 = arith.addi %convert_element_type3A_283, %mul3A_290 : vector<16xi32>
        %add3A_292 = arith.constant 59168 : i32
        %add3A_293 = vector.broadcast %add3A_292 : i32 to vector<16xi32>
        %add3A_294 = arith.addi %add3A_291, %add3A_293 : vector<16xi32>
        %mul3A_295 = arith.constant 16 : i32
        %mul3A_296 = arith.muli %scan3A_120, %mul3A_295 : i32
        %add3A_297 = arith.constant 2048 : i32
        %add3A_298 = arith.addi %add3A_297, %mul3A_296 : i32
        %swap3A_299 = arith.index_cast %add3A_298 : i32 to index
        %swap3A_300 = tpu.vector_load %arg9[%swap3A_299] {strides = array<i32>} : memref<4096xi32, #tpu.memory_space<vmem>>, vector<16xi32>,
        tpu.vector_store %arg9[%swap3A_299], %add3A_294 {strides = array<i32>} : memref<4096xi32, #tpu.memory_space<vmem>>, vector<16xi32>,
        %add3A_301 = arith.constant 124704 : i32
        %add3A_302 = vector.broadcast %add3A_301 : i32 to vector<16xi32>
        %add3A_303 = arith.addi %add3A_291, %add3A_302 : vector<16xi32>
        %mul3A_304 = arith.constant 16 : i32
        %mul3A_305 = arith.muli %scan3A_120, %mul3A_304 : i32
        %add3A_306 = arith.constant 3072 : i32
        %add3A_307 = arith.addi %add3A_306, %mul3A_305 : i32
        %swap3A_308 = arith.index_cast %add3A_307 : i32 to index
        %swap3A_309 = tpu.vector_load %arg9[%swap3A_308] {strides = array<i32>} : memref<4096xi32, #tpu.memory_space<vmem>>, vector<16xi32>,
        tpu.vector_store %arg9[%swap3A_308], %add3A_303 {strides = array<i32>} : memref<4096xi32, #tpu.memory_space<vmem>>, vector<16xi32>,
        %scan3A_310 = arith.constant 1 : i32
        %scan3A_311 = arith.addi %scan3A_120, %scan3A_310 : i32
        %mul3A_312 = arith.constant 16 : i32
        %mul3A_313 = arith.muli %scan3A_311, %mul3A_312 : i32
        %add3A_314 = vector.broadcast %mul3A_313 : i32 to vector<16xi32>
        %add3A_315 = arith.addi %iota3A, %add3A_314 : vector<16xi32>
        %mul3A_316 = arith.constant 16 : i32
        %mul3A_317 = arith.muli %scan3A_311, %mul3A_316 : i32
        %get3A_318 = arith.index_cast %mul3A_317 : i32 to index
        %get3A_319 = tpu.vector_load %arg7[%get3A_318] {strides = array<i32>} : memref<1024xf32, #tpu.memory_space<vmem>>, vector<16xf32>,
        %mul3A_320 = arith.constant 16 : i32
        %mul3A_321 = arith.muli %scan3A_311, %mul3A_320 : i32
        %get3A_322 = arith.index_cast %mul3A_321 : i32 to index
        %get3A_323 = tpu.vector_load %arg8[%get3A_322] {strides = array<i32>} : memref<1024xf32, #tpu.memory_space<vmem>>, vector<16xf32>,
        %mul3A_324 = arith.constant 1.500000e+01 : f32
        %mul3A_325 = vector.broadcast %mul3A_324 : f32 to vector<16xf32>
        %mul3A_326 = arith.mulf %get3A_319, %mul3A_325 : vector<16xf32>
        %convert_element_type3A_327 = arith.fptosi %mul3A_326 : vector<16xf32> to vector<16xi32>
        %mul3A_328 = arith.constant 1.500000e+01 : f32
        %mul3A_329 = vector.broadcast %mul3A_328 : f32 to vector<16xf32>
        %mul3A_330 = arith.mulf %get3A_323, %mul3A_329 : vector<16xf32>
        %convert_element_type3A_331 = arith.fptosi %mul3A_330 : vector<16xf32> to vector<16xi32>
        %mul3A_332 = arith.constant 16 : i32
        %mul3A_333 = vector.broadcast %mul3A_332 : i32 to vector<16xi32>
        %mul3A_334 = arith.muli %convert_element_type3A_331, %mul3A_333 : vector<16xi32>
        %add3A_335 = arith.addi %convert_element_type3A_327, %mul3A_334 : vector<16xi32>
        %add3A_336 = arith.constant 0 : i32
        %add3A_337 = vector.broadcast %add3A_336 : i32 to vector<16xi32>
        %add3A_338 = arith.addi %add3A_335, %add3A_337 : vector<16xi32>
        %gather3A_339 = tpu.vector_load_idx %arg6[%add3A_338] : memref<48096xf32, #tpu.memory_space<vmem>>[vector<16xi32>], vector<16xf32>,
        tpu.vector_store_idx %arg11[%add3A_315, %add3A_9], %gather3A_339 : memref<1024x16xf32, #tpu.memory_space<vmem>>[vector<16xi32>, vector<16xi32>], vector<16xf32>,
        %add3A_340 = arith.constant 24048 : i32
        %add3A_341 = vector.broadcast %add3A_340 : i32 to vector<16xi32>
        %add3A_342 = arith.addi %add3A_335, %add3A_341 : vector<16xi32>
        %gather3A_343 = tpu.vector_load_idx %arg6[%add3A_342] : memref<48096xf32, #tpu.memory_space<vmem>>[vector<16xi32>], vector<16xf32>,
        tpu.vector_store_idx %arg11[%add3A_315, %add3A_33], %gather3A_343 : memref<1024x16xf32, #tpu.memory_space<vmem>>[vector<16xi32>, vector<16xi32>], vector<16xf32>,
        %mul3A_344 = arith.constant 2.200000e+01 : f32
        %mul3A_345 = vector.broadcast %mul3A_344 : f32 to vector<16xf32>
        %mul3A_346 = arith.mulf %get3A_319, %mul3A_345 : vector<16xf32>
        %convert_element_type3A_347 = arith.fptosi %mul3A_346 : vector<16xf32> to vector<16xi32>
        %mul3A_348 = arith.constant 2.200000e+01 : f32
        %mul3A_349 = vector.broadcast %mul3A_348 : f32 to vector<16xf32>
        %mul3A_350 = arith.mulf %get3A_323, %mul3A_349 : vector<16xf32>
        %convert_element_type3A_351 = arith.fptosi %mul3A_350 : vector<16xf32> to vector<16xi32>
        %mul3A_352 = arith.constant 23 : i32
        %mul3A_353 = vector.broadcast %mul3A_352 : i32 to vector<16xi32>
        %mul3A_354 = arith.muli %convert_element_type3A_351, %mul3A_353 : vector<16xi32>
        %add3A_355 = arith.addi %convert_element_type3A_347, %mul3A_354 : vector<16xi32>
        %add3A_356 = arith.constant 256 : i32
        %add3A_357 = vector.broadcast %add3A_356 : i32 to vector<16xi32>
        %add3A_358 = arith.addi %add3A_355, %add3A_357 : vector<16xi32>
        %gather3A_359 = tpu.vector_load_idx %arg6[%add3A_358] : memref<48096xf32, #tpu.memory_space<vmem>>[vector<16xi32>], vector<16xf32>,
        tpu.vector_store_idx %arg11[%add3A_315, %add3A_12], %gather3A_359 : memref<1024x16xf32, #tpu.memory_space<vmem>>[vector<16xi32>, vector<16xi32>], vector<16xf32>,
        %add3A_360 = arith.constant 24304 : i32
        %add3A_361 = vector.broadcast %add3A_360 : i32 to vector<16xi32>
        %add3A_362 = arith.addi %add3A_355, %add3A_361 : vector<16xi32>
        %gather3A_363 = tpu.vector_load_idx %arg6[%add3A_362] : memref<48096xf32, #tpu.memory_space<vmem>>[vector<16xi32>], vector<16xf32>,
        tpu.vector_store_idx %arg11[%add3A_315, %add3A_36], %gather3A_363 : memref<1024x16xf32, #tpu.memory_space<vmem>>[vector<16xi32>, vector<16xi32>], vector<16xf32>,
        %mul3A_364 = arith.constant 3.400000e+01 : f32
        %mul3A_365 = vector.broadcast %mul3A_364 : f32 to vector<16xf32>
        %mul3A_366 = arith.mulf %get3A_319, %mul3A_365 : vector<16xf32>
        %convert_element_type3A_367 = arith.fptosi %mul3A_366 : vector<16xf32> to vector<16xi32>
        %mul3A_368 = arith.constant 3.400000e+01 : f32
        %mul3A_369 = vector.broadcast %mul3A_368 : f32 to vector<16xf32>
        %mul3A_370 = arith.mulf %get3A_323, %mul3A_369 : vector<16xf32>
        %convert_element_type3A_371 = arith.fptosi %mul3A_370 : vector<16xf32> to vector<16xi32>
        %mul3A_372 = arith.constant 35 : i32
        %mul3A_373 = vector.broadcast %mul3A_372 : i32 to vector<16xi32>
        %mul3A_374 = arith.muli %convert_element_type3A_371, %mul3A_373 : vector<16xi32>
        %add3A_375 = arith.addi %convert_element_type3A_367, %mul3A_374 : vector<16xi32>
        %add3A_376 = arith.constant 792 : i32
        %add3A_377 = vector.broadcast %add3A_376 : i32 to vector<16xi32>
        %add3A_378 = arith.addi %add3A_375, %add3A_377 : vector<16xi32>
        %gather3A_379 = tpu.vector_load_idx %arg6[%add3A_378] : memref<48096xf32, #tpu.memory_space<vmem>>[vector<16xi32>], vector<16xf32>,
        tpu.vector_store_idx %arg11[%add3A_315, %add3A_15], %gather3A_379 : memref<1024x16xf32, #tpu.memory_space<vmem>>[vector<16xi32>, vector<16xi32>], vector<16xf32>,
        %add3A_380 = arith.constant 24840 : i32
        %add3A_381 = vector.broadcast %add3A_380 : i32 to vector<16xi32>
        %add3A_382 = arith.addi %add3A_375, %add3A_381 : vector<16xi32>
        %gather3A_383 = tpu.vector_load_idx %arg6[%add3A_382] : memref<48096xf32, #tpu.memory_space<vmem>>[vector<16xi32>], vector<16xf32>,
        tpu.vector_store_idx %arg11[%add3A_315, %add3A_39], %gather3A_383 : memref<1024x16xf32, #tpu.memory_space<vmem>>[vector<16xi32>, vector<16xi32>], vector<16xf32>,
        %mul3A_384 = arith.constant 5.100000e+01 : f32
        %mul3A_385 = vector.broadcast %mul3A_384 : f32 to vector<16xf32>
        %mul3A_386 = arith.mulf %get3A_319, %mul3A_385 : vector<16xf32>
        %convert_element_type3A_387 = arith.fptosi %mul3A_386 : vector<16xf32> to vector<16xi32>
        %mul3A_388 = arith.constant 5.100000e+01 : f32
        %mul3A_389 = vector.broadcast %mul3A_388 : f32 to vector<16xf32>
        %mul3A_390 = arith.mulf %get3A_323, %mul3A_389 : vector<16xf32>
        %convert_element_type3A_391 = arith.fptosi %mul3A_390 : vector<16xf32> to vector<16xi32>
        %mul3A_392 = arith.constant 52 : i32
        %mul3A_393 = vector.broadcast %mul3A_392 : i32 to vector<16xi32>
        %mul3A_394 = arith.muli %convert_element_type3A_391, %mul3A_393 : vector<16xi32>
        %add3A_395 = arith.addi %convert_element_type3A_387, %mul3A_394 : vector<16xi32>
        %add3A_396 = arith.constant 2024 : i32
        %add3A_397 = vector.broadcast %add3A_396 : i32 to vector<16xi32>
        %add3A_398 = arith.addi %add3A_395, %add3A_397 : vector<16xi32>
        %gather3A_399 = tpu.vector_load_idx %arg6[%add3A_398] : memref<48096xf32, #tpu.memory_space<vmem>>[vector<16xi32>], vector<16xf32>,
        tpu.vector_store_idx %arg11[%add3A_315, %add3A_18], %gather3A_399 : memref<1024x16xf32, #tpu.memory_space<vmem>>[vector<16xi32>, vector<16xi32>], vector<16xf32>,
        %add3A_400 = arith.constant 26072 : i32
        %add3A_401 = vector.broadcast %add3A_400 : i32 to vector<16xi32>
        %add3A_402 = arith.addi %add3A_395, %add3A_401 : vector<16xi32>
        %gather3A_403 = tpu.vector_load_idx %arg6[%add3A_402] : memref<48096xf32, #tpu.memory_space<vmem>>[vector<16xi32>], vector<16xf32>,
        tpu.vector_store_idx %arg11[%add3A_315, %add3A_42], %gather3A_403 : memref<1024x16xf32, #tpu.memory_space<vmem>>[vector<16xi32>, vector<16xi32>], vector<16xf32>,
        %mul3A_404 = arith.constant 7.700000e+01 : f32
        %mul3A_405 = vector.broadcast %mul3A_404 : f32 to vector<16xf32>
        %mul3A_406 = arith.mulf %get3A_319, %mul3A_405 : vector<16xf32>
        %convert_element_type3A_407 = arith.fptosi %mul3A_406 : vector<16xf32> to vector<16xi32>
        %mul3A_408 = arith.constant 7.700000e+01 : f32
        %mul3A_409 = vector.broadcast %mul3A_408 : f32 to vector<16xf32>
        %mul3A_410 = arith.mulf %get3A_323, %mul3A_409 : vector<16xf32>
        %convert_element_type3A_411 = arith.fptosi %mul3A_410 : vector<16xf32> to vector<16xi32>
        %mul3A_412 = arith.constant 78 : i32
        %mul3A_413 = vector.broadcast %mul3A_412 : i32 to vector<16xi32>
        %mul3A_414 = arith.muli %convert_element_type3A_411, %mul3A_413 : vector<16xi32>
        %add3A_415 = arith.addi %convert_element_type3A_407, %mul3A_414 : vector<16xi32>
        %add3A_416 = arith.constant 4728 : i32
        %add3A_417 = vector.broadcast %add3A_416 : i32 to vector<16xi32>
        %add3A_418 = arith.addi %add3A_415, %add3A_417 : vector<16xi32>
        %gather3A_419 = tpu.vector_load_idx %arg6[%add3A_418] : memref<48096xf32, #tpu.memory_space<vmem>>[vector<16xi32>], vector<16xf32>,
        tpu.vector_store_idx %arg11[%add3A_315, %add3A_21], %gather3A_419 : memref<1024x16xf32, #tpu.memory_space<vmem>>[vector<16xi32>, vector<16xi32>], vector<16xf32>,
        %add3A_420 = arith.constant 28776 : i32
        %add3A_421 = vector.broadcast %add3A_420 : i32 to vector<16xi32>
        %add3A_422 = arith.addi %add3A_415, %add3A_421 : vector<16xi32>
        %gather3A_423 = tpu.vector_load_idx %arg6[%add3A_422] : memref<48096xf32, #tpu.memory_space<vmem>>[vector<16xi32>], vector<16xf32>,
        tpu.vector_store_idx %arg11[%add3A_315, %add3A_45], %gather3A_423 : memref<1024x16xf32, #tpu.memory_space<vmem>>[vector<16xi32>, vector<16xi32>], vector<16xf32>,
        %mul3A_424 = arith.constant 1.140000e+02 : f32
        %mul3A_425 = vector.broadcast %mul3A_424 : f32 to vector<16xf32>
        %mul3A_426 = arith.mulf %get3A_319, %mul3A_425 : vector<16xf32>
        %convert_element_type3A_427 = arith.fptosi %mul3A_426 : vector<16xf32> to vector<16xi32>
        %mul3A_428 = arith.constant 1.140000e+02 : f32
        %mul3A_429 = vector.broadcast %mul3A_428 : f32 to vector<16xf32>
        %mul3A_430 = arith.mulf %get3A_323, %mul3A_429 : vector<16xf32>
        %convert_element_type3A_431 = arith.fptosi %mul3A_430 : vector<16xf32> to vector<16xi32>
        %mul3A_432 = arith.constant 115 : i32
        %mul3A_433 = vector.broadcast %mul3A_432 : i32 to vector<16xi32>
        %mul3A_434 = arith.muli %convert_element_type3A_431, %mul3A_433 : vector<16xi32>
        %add3A_435 = arith.addi %convert_element_type3A_427, %mul3A_434 : vector<16xi32>
        %add3A_436 = arith.constant 10816 : i32
        %add3A_437 = vector.broadcast %add3A_436 : i32 to vector<16xi32>
        %add3A_438 = arith.addi %add3A_435, %add3A_437 : vector<16xi32>
        %gather3A_439 = tpu.vector_load_idx %arg6[%add3A_438] : memref<48096xf32, #tpu.memory_space<vmem>>[vector<16xi32>], vector<16xf32>,
        tpu.vector_store_idx %arg11[%add3A_315, %add3A_24], %gather3A_439 : memref<1024x16xf32, #tpu.memory_space<vmem>>[vector<16xi32>, vector<16xi32>], vector<16xf32>,
        %add3A_440 = arith.constant 34864 : i32
        %add3A_441 = vector.broadcast %add3A_440 : i32 to vector<16xi32>
        %add3A_442 = arith.addi %add3A_435, %add3A_441 : vector<16xi32>
        %gather3A_443 = tpu.vector_load_idx %arg6[%add3A_442] : memref<48096xf32, #tpu.memory_space<vmem>>[vector<16xi32>], vector<16xf32>,
        tpu.vector_store_idx %arg11[%add3A_315, %add3A_48], %gather3A_443 : memref<1024x16xf32, #tpu.memory_space<vmem>>[vector<16xi32>, vector<16xi32>], vector<16xf32>,
        %mul3A_444 = arith.constant 1.710000e+02 : f32
        %mul3A_445 = vector.broadcast %mul3A_444 : f32 to vector<16xf32>
        %mul3A_446 = arith.mulf %get3A_319, %mul3A_445 : vector<16xf32>
        %convert_element_type3A_447 = arith.fptosi %mul3A_446 : vector<16xf32> to vector<16xi32>
        %mul3A_448 = arith.constant 1.710000e+02 : f32
        %mul3A_449 = vector.broadcast %mul3A_448 : f32 to vector<16xf32>
        %mul3A_450 = arith.mulf %get3A_323, %mul3A_449 : vector<16xf32>
        %convert_element_type3A_451 = arith.fptosi %mul3A_450 : vector<16xf32> to vector<16xi32>
        %mul3A_452 = arith.constant 172 : i32
        %mul3A_453 = vector.broadcast %mul3A_452 : i32 to vector<16xi32>
        %mul3A_454 = arith.muli %convert_element_type3A_451, %mul3A_453 : vector<16xi32>
        %add3A_455 = arith.addi %convert_element_type3A_447, %mul3A_454 : vector<16xi32>
        %add3A_456 = arith.constant 0 : i32
        %add3A_457 = vector.broadcast %add3A_456 : i32 to vector<16xi32>
        %add3A_458 = arith.addi %add3A_455, %add3A_457 : vector<16xi32>
        %mul3A_459 = arith.constant 16 : i32
        %mul3A_460 = arith.muli %scan3A_311, %mul3A_459 : i32
        %add3A_461 = arith.constant 0 : i32
        %add3A_462 = arith.addi %add3A_461, %mul3A_460 : i32
        %swap3A_463 = arith.index_cast %add3A_462 : i32 to index
        %swap3A_464 = tpu.vector_load %arg9[%swap3A_463] {strides = array<i32>} : memref<4096xi32, #tpu.memory_space<vmem>>, vector<16xi32>,
        tpu.vector_store %arg9[%swap3A_463], %add3A_458 {strides = array<i32>} : memref<4096xi32, #tpu.memory_space<vmem>>, vector<16xi32>,
        %add3A_465 = arith.constant 29584 : i32
        %add3A_466 = vector.broadcast %add3A_465 : i32 to vector<16xi32>
        %add3A_467 = arith.addi %add3A_455, %add3A_466 : vector<16xi32>
        %mul3A_468 = arith.constant 16 : i32
        %mul3A_469 = arith.muli %scan3A_311, %mul3A_468 : i32
        %add3A_470 = arith.constant 1024 : i32
        %add3A_471 = arith.addi %add3A_470, %mul3A_469 : i32
        %swap3A_472 = arith.index_cast %add3A_471 : i32 to index
        %swap3A_473 = tpu.vector_load %arg9[%swap3A_472] {strides = array<i32>} : memref<4096xi32, #tpu.memory_space<vmem>>, vector<16xi32>,
        tpu.vector_store %arg9[%swap3A_472], %add3A_467 {strides = array<i32>} : memref<4096xi32, #tpu.memory_space<vmem>>, vector<16xi32>,
        %mul3A_474 = arith.constant 2.550000e+02 : f32
        %mul3A_475 = vector.broadcast %mul3A_474 : f32 to vector<16xf32>
        %mul3A_476 = arith.mulf %get3A_319, %mul3A_475 : vector<16xf32>
        %convert_element_type3A_477 = arith.fptosi %mul3A_476 : vector<16xf32> to vector<16xi32>
        %mul3A_478 = arith.constant 2.550000e+02 : f32
        %mul3A_479 = vector.broadcast %mul3A_478 : f32 to vector<16xf32>
        %mul3A_480 = arith.mulf %get3A_323, %mul3A_479 : vector<16xf32>
        %convert_element_type3A_481 = arith.fptosi %mul3A_480 : vector<16xf32> to vector<16xi32>
        %mul3A_482 = arith.constant 256 : i32
        %mul3A_483 = vector.broadcast %mul3A_482 : i32 to vector<16xi32>
        %mul3A_484 = arith.muli %convert_element_type3A_481, %mul3A_483 : vector<16xi32>
        %add3A_485 = arith.addi %convert_element_type3A_477, %mul3A_484 : vector<16xi32>
        %add3A_486 = arith.constant 59168 : i32
        %add3A_487 = vector.broadcast %add3A_486 : i32 to vector<16xi32>
        %add3A_488 = arith.addi %add3A_485, %add3A_487 : vector<16xi32>
        %mul3A_489 = arith.constant 16 : i32
        %mul3A_490 = arith.muli %scan3A_311, %mul3A_489 : i32
        %add3A_491 = arith.constant 2048 : i32
        %add3A_492 = arith.addi %add3A_491, %mul3A_490 : i32
        %swap3A_493 = arith.index_cast %add3A_492 : i32 to index
        %swap3A_494 = tpu.vector_load %arg9[%swap3A_493] {strides = array<i32>} : memref<4096xi32, #tpu.memory_space<vmem>>, vector<16xi32>,
        tpu.vector_store %arg9[%swap3A_493], %add3A_488 {strides = array<i32>} : memref<4096xi32, #tpu.memory_space<vmem>>, vector<16xi32>,
        %add3A_495 = arith.constant 124704 : i32
        %add3A_496 = vector.broadcast %add3A_495 : i32 to vector<16xi32>
        %add3A_497 = arith.addi %add3A_485, %add3A_496 : vector<16xi32>
        %mul3A_498 = arith.constant 16 : i32
        %mul3A_499 = arith.muli %scan3A_311, %mul3A_498 : i32
        %add3A_500 = arith.constant 3072 : i32
        %add3A_501 = arith.addi %add3A_500, %mul3A_499 : i32
        %swap3A_502 = arith.index_cast %add3A_501 : i32 to index
        %swap3A_503 = tpu.vector_load %arg9[%swap3A_502] {strides = array<i32>} : memref<4096xi32, #tpu.memory_space<vmem>>, vector<16xi32>,
        tpu.vector_store %arg9[%swap3A_502], %add3A_497 {strides = array<i32>} : memref<4096xi32, #tpu.memory_space<vmem>>, vector<16xi32>,
      }
      %scan3A_77 = arith.constant 64 : i32
      %dma_start3A = arith.constant 0 : i32
      %dma_start3A_78 = tpu.memref_slice %arg15[%dma_start3A] : memref<190240xf32, #tpu.memory_space<vmem_shared>> -> memref<190240xf32, #tpu.memory_space<vmem_shared>>
      tpu.enqueue_indirect_dma source(%dma_start3A_78 : memref<190240xf32, #tpu.memory_space<vmem_shared>>) target(%arg10 : memref<4096xf32, #tpu.memory_space<vmem>>) offsets(%arg9 : memref<4096xi32, #tpu.memory_space<vmem>>) semaphore(%arg16 : memref<!tpu.dma_semaphore, #tpu.memory_space<semaphore_mem>>)
      %mul3A_79 = arith.constant 32768 : i32
      %mul3A_80 = arith.muli %add3A, %mul3A_79 : i32
      %mul3A_81 = arith.constant 1024 : i32
      %mul3A_82 = arith.muli %add3A_66, %mul3A_81 : i32
      %add3A_83 = arith.addi %mul3A_80, %mul3A_82 : i32
      %multiple_of3A_84 = tpu.assume_multiple %add3A_83, 1024 : i32
      "tpu.region"() ({
        %run_scoped3A = tpu.sem_alloc : memref<!tpu.dma_semaphore, #tpu.memory_space<semaphore_mem>>
        %dma_start3A_120 = tpu.memref_slice %arg2[%multiple_of3A_84] : memref<1048576xf32, #tpu.memory_space<hbm>> -> memref<1024xf32, #tpu.memory_space<hbm>>
        %dma_start3A_121 = tpu.memref_slice %arg2[%multiple_of3A_84] : memref<1048576xf32, #tpu.memory_space<hbm>> -> memref<1024xf32, #tpu.memory_space<hbm>>
        tpu.enqueue_dma source(%dma_start3A_121 : memref<1024xf32, #tpu.memory_space<hbm>>) target(%arg7 : memref<1024xf32, #tpu.memory_space<vmem>>) target_semaphore(%run_scoped3A : memref<!tpu.dma_semaphore, #tpu.memory_space<semaphore_mem>>)
        %dma_wait3A_122 = tpu.memref_slice %arg2[%multiple_of3A_84] : memref<1048576xf32, #tpu.memory_space<hbm>> -> memref<1024xf32, #tpu.memory_space<hbm>>
        %dma_wait3A_123 = tpu.memref_slice %arg2[%multiple_of3A_84] : memref<1048576xf32, #tpu.memory_space<hbm>> -> memref<1024xf32, #tpu.memory_space<hbm>>
        tpu.wait_dma2 semaphore(%run_scoped3A : memref<!tpu.dma_semaphore, #tpu.memory_space<semaphore_mem>>) src(%dma_wait3A_123 : memref<1024xf32, #tpu.memory_space<hbm>>) dst(%arg7 : memref<1024xf32, #tpu.memory_space<vmem>>)
        tpu.yield
      }) : () -> ()
      "tpu.region"() ({
        %run_scoped3A = tpu.sem_alloc : memref<!tpu.dma_semaphore, #tpu.memory_space<semaphore_mem>>
        %dma_start3A_120 = tpu.memref_slice %arg3[%multiple_of3A_84] : memref<1048576xf32, #tpu.memory_space<hbm>> -> memref<1024xf32, #tpu.memory_space<hbm>>
        %dma_start3A_121 = tpu.memref_slice %arg3[%multiple_of3A_84] : memref<1048576xf32, #tpu.memory_space<hbm>> -> memref<1024xf32, #tpu.memory_space<hbm>>
        tpu.enqueue_dma source(%dma_start3A_121 : memref<1024xf32, #tpu.memory_space<hbm>>) target(%arg8 : memref<1024xf32, #tpu.memory_space<vmem>>) target_semaphore(%run_scoped3A : memref<!tpu.dma_semaphore, #tpu.memory_space<semaphore_mem>>)
        %dma_wait3A_122 = tpu.memref_slice %arg3[%multiple_of3A_84] : memref<1048576xf32, #tpu.memory_space<hbm>> -> memref<1024xf32, #tpu.memory_space<hbm>>
        %dma_wait3A_123 = tpu.memref_slice %arg3[%multiple_of3A_84] : memref<1048576xf32, #tpu.memory_space<hbm>> -> memref<1024xf32, #tpu.memory_space<hbm>>
        tpu.wait_dma2 semaphore(%run_scoped3A : memref<!tpu.dma_semaphore, #tpu.memory_space<semaphore_mem>>) src(%dma_wait3A_123 : memref<1024xf32, #tpu.memory_space<hbm>>) dst(%arg8 : memref<1024xf32, #tpu.memory_space<vmem>>)
        tpu.yield
      }) : () -> ()
      %scan3A_85 = arith.constant 0 : i32
      %scan3A_86 = arith.constant 0 : i32
      %scan3A_87 = arith.constant 64 : i32
      %scan3A_88 = arith.addi %scan3A_86, %scan3A_87 : i32
      %scan3A_89 = arith.constant 2 : i32
      scf.for %scan3A_120 = %scan3A_86 to %scan3A_88 step %scan3A_89  : i32 {
        %mul3A_121 = arith.constant 16 : i32
        %mul3A_122 = arith.muli %scan3A_120, %mul3A_121 : i32
        %add3A_123 = vector.broadcast %mul3A_122 : i32 to vector<16xi32>
        %add3A_124 = arith.addi %iota3A, %add3A_123 : vector<16xi32>
        %mul3A_125 = arith.constant 16 : i32
        %mul3A_126 = arith.muli %scan3A_120, %mul3A_125 : i32
        %get3A = arith.index_cast %mul3A_126 : i32 to index
        %get3A_127 = tpu.vector_load %arg7[%get3A] {strides = array<i32>} : memref<1024xf32, #tpu.memory_space<vmem>>, vector<16xf32>,
        %mul3A_128 = arith.constant 16 : i32
        %mul3A_129 = arith.muli %scan3A_120, %mul3A_128 : i32
        %get3A_130 = arith.index_cast %mul3A_129 : i32 to index
        %get3A_131 = tpu.vector_load %arg8[%get3A_130] {strides = array<i32>} : memref<1024xf32, #tpu.memory_space<vmem>>, vector<16xf32>,
        %mul3A_132 = arith.constant 1.500000e+01 : f32
        %mul3A_133 = vector.broadcast %mul3A_132 : f32 to vector<16xf32>
        %mul3A_134 = arith.mulf %get3A_127, %mul3A_133 : vector<16xf32>
        %convert_element_type3A_135 = arith.fptosi %mul3A_134 : vector<16xf32> to vector<16xi32>
        %mul3A_136 = arith.constant 1.500000e+01 : f32
        %mul3A_137 = vector.broadcast %mul3A_136 : f32 to vector<16xf32>
        %mul3A_138 = arith.mulf %get3A_131, %mul3A_137 : vector<16xf32>
        %convert_element_type3A_139 = arith.fptosi %mul3A_138 : vector<16xf32> to vector<16xi32>
        %mul3A_140 = arith.constant 16 : i32
        %mul3A_141 = vector.broadcast %mul3A_140 : i32 to vector<16xi32>
        %mul3A_142 = arith.muli %convert_element_type3A_139, %mul3A_141 : vector<16xi32>
        %add3A_143 = arith.addi %convert_element_type3A_135, %mul3A_142 : vector<16xi32>
        %add3A_144 = arith.constant 0 : i32
        %add3A_145 = vector.broadcast %add3A_144 : i32 to vector<16xi32>
        %add3A_146 = arith.addi %add3A_143, %add3A_145 : vector<16xi32>
        %gather3A = tpu.vector_load_idx %arg6[%add3A_146] : memref<48096xf32, #tpu.memory_space<vmem>>[vector<16xi32>], vector<16xf32>,
        tpu.vector_store_idx %arg14[%add3A_124, %add3A_9], %gather3A : memref<1024x16xf32, #tpu.memory_space<vmem>>[vector<16xi32>, vector<16xi32>], vector<16xf32>,
        %add3A_147 = arith.constant 24048 : i32
        %add3A_148 = vector.broadcast %add3A_147 : i32 to vector<16xi32>
        %add3A_149 = arith.addi %add3A_143, %add3A_148 : vector<16xi32>
        %gather3A_150 = tpu.vector_load_idx %arg6[%add3A_149] : memref<48096xf32, #tpu.memory_space<vmem>>[vector<16xi32>], vector<16xf32>,
        tpu.vector_store_idx %arg14[%add3A_124, %add3A_33], %gather3A_150 : memref<1024x16xf32, #tpu.memory_space<vmem>>[vector<16xi32>, vector<16xi32>], vector<16xf32>,
        %mul3A_151 = arith.constant 2.200000e+01 : f32
        %mul3A_152 = vector.broadcast %mul3A_151 : f32 to vector<16xf32>
        %mul3A_153 = arith.mulf %get3A_127, %mul3A_152 : vector<16xf32>
        %convert_element_type3A_154 = arith.fptosi %mul3A_153 : vector<16xf32> to vector<16xi32>
        %mul3A_155 = arith.constant 2.200000e+01 : f32
        %mul3A_156 = vector.broadcast %mul3A_155 : f32 to vector<16xf32>
        %mul3A_157 = arith.mulf %get3A_131, %mul3A_156 : vector<16xf32>
        %convert_element_type3A_158 = arith.fptosi %mul3A_157 : vector<16xf32> to vector<16xi32>
        %mul3A_159 = arith.constant 23 : i32
        %mul3A_160 = vector.broadcast %mul3A_159 : i32 to vector<16xi32>
        %mul3A_161 = arith.muli %convert_element_type3A_158, %mul3A_160 : vector<16xi32>
        %add3A_162 = arith.addi %convert_element_type3A_154, %mul3A_161 : vector<16xi32>
        %add3A_163 = arith.constant 256 : i32
        %add3A_164 = vector.broadcast %add3A_163 : i32 to vector<16xi32>
        %add3A_165 = arith.addi %add3A_162, %add3A_164 : vector<16xi32>
        %gather3A_166 = tpu.vector_load_idx %arg6[%add3A_165] : memref<48096xf32, #tpu.memory_space<vmem>>[vector<16xi32>], vector<16xf32>,
        tpu.vector_store_idx %arg14[%add3A_124, %add3A_12], %gather3A_166 : memref<1024x16xf32, #tpu.memory_space<vmem>>[vector<16xi32>, vector<16xi32>], vector<16xf32>,
        %add3A_167 = arith.constant 24304 : i32
        %add3A_168 = vector.broadcast %add3A_167 : i32 to vector<16xi32>
        %add3A_169 = arith.addi %add3A_162, %add3A_168 : vector<16xi32>
        %gather3A_170 = tpu.vector_load_idx %arg6[%add3A_169] : memref<48096xf32, #tpu.memory_space<vmem>>[vector<16xi32>], vector<16xf32>,
        tpu.vector_store_idx %arg14[%add3A_124, %add3A_36], %gather3A_170 : memref<1024x16xf32, #tpu.memory_space<vmem>>[vector<16xi32>, vector<16xi32>], vector<16xf32>,
        %mul3A_171 = arith.constant 3.400000e+01 : f32
        %mul3A_172 = vector.broadcast %mul3A_171 : f32 to vector<16xf32>
        %mul3A_173 = arith.mulf %get3A_127, %mul3A_172 : vector<16xf32>
        %convert_element_type3A_174 = arith.fptosi %mul3A_173 : vector<16xf32> to vector<16xi32>
        %mul3A_175 = arith.constant 3.400000e+01 : f32
        %mul3A_176 = vector.broadcast %mul3A_175 : f32 to vector<16xf32>
        %mul3A_177 = arith.mulf %get3A_131, %mul3A_176 : vector<16xf32>
        %convert_element_type3A_178 = arith.fptosi %mul3A_177 : vector<16xf32> to vector<16xi32>
        %mul3A_179 = arith.constant 35 : i32
        %mul3A_180 = vector.broadcast %mul3A_179 : i32 to vector<16xi32>
        %mul3A_181 = arith.muli %convert_element_type3A_178, %mul3A_180 : vector<16xi32>
        %add3A_182 = arith.addi %convert_element_type3A_174, %mul3A_181 : vector<16xi32>
        %add3A_183 = arith.constant 792 : i32
        %add3A_184 = vector.broadcast %add3A_183 : i32 to vector<16xi32>
        %add3A_185 = arith.addi %add3A_182, %add3A_184 : vector<16xi32>
        %gather3A_186 = tpu.vector_load_idx %arg6[%add3A_185] : memref<48096xf32, #tpu.memory_space<vmem>>[vector<16xi32>], vector<16xf32>,
        tpu.vector_store_idx %arg14[%add3A_124, %add3A_15], %gather3A_186 : memref<1024x16xf32, #tpu.memory_space<vmem>>[vector<16xi32>, vector<16xi32>], vector<16xf32>,
        %add3A_187 = arith.constant 24840 : i32
        %add3A_188 = vector.broadcast %add3A_187 : i32 to vector<16xi32>
        %add3A_189 = arith.addi %add3A_182, %add3A_188 : vector<16xi32>
        %gather3A_190 = tpu.vector_load_idx %arg6[%add3A_189] : memref<48096xf32, #tpu.memory_space<vmem>>[vector<16xi32>], vector<16xf32>,
        tpu.vector_store_idx %arg14[%add3A_124, %add3A_39], %gather3A_190 : memref<1024x16xf32, #tpu.memory_space<vmem>>[vector<16xi32>, vector<16xi32>], vector<16xf32>,
        %mul3A_191 = arith.constant 5.100000e+01 : f32
        %mul3A_192 = vector.broadcast %mul3A_191 : f32 to vector<16xf32>
        %mul3A_193 = arith.mulf %get3A_127, %mul3A_192 : vector<16xf32>
        %convert_element_type3A_194 = arith.fptosi %mul3A_193 : vector<16xf32> to vector<16xi32>
        %mul3A_195 = arith.constant 5.100000e+01 : f32
        %mul3A_196 = vector.broadcast %mul3A_195 : f32 to vector<16xf32>
        %mul3A_197 = arith.mulf %get3A_131, %mul3A_196 : vector<16xf32>
        %convert_element_type3A_198 = arith.fptosi %mul3A_197 : vector<16xf32> to vector<16xi32>
        %mul3A_199 = arith.constant 52 : i32
        %mul3A_200 = vector.broadcast %mul3A_199 : i32 to vector<16xi32>
        %mul3A_201 = arith.muli %convert_element_type3A_198, %mul3A_200 : vector<16xi32>
        %add3A_202 = arith.addi %convert_element_type3A_194, %mul3A_201 : vector<16xi32>
        %add3A_203 = arith.constant 2024 : i32
        %add3A_204 = vector.broadcast %add3A_203 : i32 to vector<16xi32>
        %add3A_205 = arith.addi %add3A_202, %add3A_204 : vector<16xi32>
        %gather3A_206 = tpu.vector_load_idx %arg6[%add3A_205] : memref<48096xf32, #tpu.memory_space<vmem>>[vector<16xi32>], vector<16xf32>,
        tpu.vector_store_idx %arg14[%add3A_124, %add3A_18], %gather3A_206 : memref<1024x16xf32, #tpu.memory_space<vmem>>[vector<16xi32>, vector<16xi32>], vector<16xf32>,
        %add3A_207 = arith.constant 26072 : i32
        %add3A_208 = vector.broadcast %add3A_207 : i32 to vector<16xi32>
        %add3A_209 = arith.addi %add3A_202, %add3A_208 : vector<16xi32>
        %gather3A_210 = tpu.vector_load_idx %arg6[%add3A_209] : memref<48096xf32, #tpu.memory_space<vmem>>[vector<16xi32>], vector<16xf32>,
        tpu.vector_store_idx %arg14[%add3A_124, %add3A_42], %gather3A_210 : memref<1024x16xf32, #tpu.memory_space<vmem>>[vector<16xi32>, vector<16xi32>], vector<16xf32>,
        %mul3A_211 = arith.constant 7.700000e+01 : f32
        %mul3A_212 = vector.broadcast %mul3A_211 : f32 to vector<16xf32>
        %mul3A_213 = arith.mulf %get3A_127, %mul3A_212 : vector<16xf32>
        %convert_element_type3A_214 = arith.fptosi %mul3A_213 : vector<16xf32> to vector<16xi32>
        %mul3A_215 = arith.constant 7.700000e+01 : f32
        %mul3A_216 = vector.broadcast %mul3A_215 : f32 to vector<16xf32>
        %mul3A_217 = arith.mulf %get3A_131, %mul3A_216 : vector<16xf32>
        %convert_element_type3A_218 = arith.fptosi %mul3A_217 : vector<16xf32> to vector<16xi32>
        %mul3A_219 = arith.constant 78 : i32
        %mul3A_220 = vector.broadcast %mul3A_219 : i32 to vector<16xi32>
        %mul3A_221 = arith.muli %convert_element_type3A_218, %mul3A_220 : vector<16xi32>
        %add3A_222 = arith.addi %convert_element_type3A_214, %mul3A_221 : vector<16xi32>
        %add3A_223 = arith.constant 4728 : i32
        %add3A_224 = vector.broadcast %add3A_223 : i32 to vector<16xi32>
        %add3A_225 = arith.addi %add3A_222, %add3A_224 : vector<16xi32>
        %gather3A_226 = tpu.vector_load_idx %arg6[%add3A_225] : memref<48096xf32, #tpu.memory_space<vmem>>[vector<16xi32>], vector<16xf32>,
        tpu.vector_store_idx %arg14[%add3A_124, %add3A_21], %gather3A_226 : memref<1024x16xf32, #tpu.memory_space<vmem>>[vector<16xi32>, vector<16xi32>], vector<16xf32>,
        %add3A_227 = arith.constant 28776 : i32
        %add3A_228 = vector.broadcast %add3A_227 : i32 to vector<16xi32>
        %add3A_229 = arith.addi %add3A_222, %add3A_228 : vector<16xi32>
        %gather3A_230 = tpu.vector_load_idx %arg6[%add3A_229] : memref<48096xf32, #tpu.memory_space<vmem>>[vector<16xi32>], vector<16xf32>,
        tpu.vector_store_idx %arg14[%add3A_124, %add3A_45], %gather3A_230 : memref<1024x16xf32, #tpu.memory_space<vmem>>[vector<16xi32>, vector<16xi32>], vector<16xf32>,
        %mul3A_231 = arith.constant 1.140000e+02 : f32
        %mul3A_232 = vector.broadcast %mul3A_231 : f32 to vector<16xf32>
        %mul3A_233 = arith.mulf %get3A_127, %mul3A_232 : vector<16xf32>
        %convert_element_type3A_234 = arith.fptosi %mul3A_233 : vector<16xf32> to vector<16xi32>
        %mul3A_235 = arith.constant 1.140000e+02 : f32
        %mul3A_236 = vector.broadcast %mul3A_235 : f32 to vector<16xf32>
        %mul3A_237 = arith.mulf %get3A_131, %mul3A_236 : vector<16xf32>
        %convert_element_type3A_238 = arith.fptosi %mul3A_237 : vector<16xf32> to vector<16xi32>
        %mul3A_239 = arith.constant 115 : i32
        %mul3A_240 = vector.broadcast %mul3A_239 : i32 to vector<16xi32>
        %mul3A_241 = arith.muli %convert_element_type3A_238, %mul3A_240 : vector<16xi32>
        %add3A_242 = arith.addi %convert_element_type3A_234, %mul3A_241 : vector<16xi32>
        %add3A_243 = arith.constant 10816 : i32
        %add3A_244 = vector.broadcast %add3A_243 : i32 to vector<16xi32>
        %add3A_245 = arith.addi %add3A_242, %add3A_244 : vector<16xi32>
        %gather3A_246 = tpu.vector_load_idx %arg6[%add3A_245] : memref<48096xf32, #tpu.memory_space<vmem>>[vector<16xi32>], vector<16xf32>,
        tpu.vector_store_idx %arg14[%add3A_124, %add3A_24], %gather3A_246 : memref<1024x16xf32, #tpu.memory_space<vmem>>[vector<16xi32>, vector<16xi32>], vector<16xf32>,
        %add3A_247 = arith.constant 34864 : i32
        %add3A_248 = vector.broadcast %add3A_247 : i32 to vector<16xi32>
        %add3A_249 = arith.addi %add3A_242, %add3A_248 : vector<16xi32>
        %gather3A_250 = tpu.vector_load_idx %arg6[%add3A_249] : memref<48096xf32, #tpu.memory_space<vmem>>[vector<16xi32>], vector<16xf32>,
        tpu.vector_store_idx %arg14[%add3A_124, %add3A_48], %gather3A_250 : memref<1024x16xf32, #tpu.memory_space<vmem>>[vector<16xi32>, vector<16xi32>], vector<16xf32>,
        %mul3A_251 = arith.constant 1.710000e+02 : f32
        %mul3A_252 = vector.broadcast %mul3A_251 : f32 to vector<16xf32>
        %mul3A_253 = arith.mulf %get3A_127, %mul3A_252 : vector<16xf32>
        %convert_element_type3A_254 = arith.fptosi %mul3A_253 : vector<16xf32> to vector<16xi32>
        %mul3A_255 = arith.constant 1.710000e+02 : f32
        %mul3A_256 = vector.broadcast %mul3A_255 : f32 to vector<16xf32>
        %mul3A_257 = arith.mulf %get3A_131, %mul3A_256 : vector<16xf32>
        %convert_element_type3A_258 = arith.fptosi %mul3A_257 : vector<16xf32> to vector<16xi32>
        %mul3A_259 = arith.constant 172 : i32
        %mul3A_260 = vector.broadcast %mul3A_259 : i32 to vector<16xi32>
        %mul3A_261 = arith.muli %convert_element_type3A_258, %mul3A_260 : vector<16xi32>
        %add3A_262 = arith.addi %convert_element_type3A_254, %mul3A_261 : vector<16xi32>
        %add3A_263 = arith.constant 0 : i32
        %add3A_264 = vector.broadcast %add3A_263 : i32 to vector<16xi32>
        %add3A_265 = arith.addi %add3A_262, %add3A_264 : vector<16xi32>
        %mul3A_266 = arith.constant 16 : i32
        %mul3A_267 = arith.muli %scan3A_120, %mul3A_266 : i32
        %add3A_268 = arith.constant 0 : i32
        %add3A_269 = arith.addi %add3A_268, %mul3A_267 : i32
        %swap3A = arith.index_cast %add3A_269 : i32 to index
        %swap3A_270 = tpu.vector_load %arg12[%swap3A] {strides = array<i32>} : memref<4096xi32, #tpu.memory_space<vmem>>, vector<16xi32>,
        tpu.vector_store %arg12[%swap3A], %add3A_265 {strides = array<i32>} : memref<4096xi32, #tpu.memory_space<vmem>>, vector<16xi32>,
        %add3A_271 = arith.constant 29584 : i32
        %add3A_272 = vector.broadcast %add3A_271 : i32 to vector<16xi32>
        %add3A_273 = arith.addi %add3A_262, %add3A_272 : vector<16xi32>
        %mul3A_274 = arith.constant 16 : i32
        %mul3A_275 = arith.muli %scan3A_120, %mul3A_274 : i32
        %add3A_276 = arith.constant 1024 : i32
        %add3A_277 = arith.addi %add3A_276, %mul3A_275 : i32
        %swap3A_278 = arith.index_cast %add3A_277 : i32 to index
        %swap3A_279 = tpu.vector_load %arg12[%swap3A_278] {strides = array<i32>} : memref<4096xi32, #tpu.memory_space<vmem>>, vector<16xi32>,
        tpu.vector_store %arg12[%swap3A_278], %add3A_273 {strides = array<i32>} : memref<4096xi32, #tpu.memory_space<vmem>>, vector<16xi32>,
        %mul3A_280 = arith.constant 2.550000e+02 : f32
        %mul3A_281 = vector.broadcast %mul3A_280 : f32 to vector<16xf32>
        %mul3A_282 = arith.mulf %get3A_127, %mul3A_281 : vector<16xf32>
        %convert_element_type3A_283 = arith.fptosi %mul3A_282 : vector<16xf32> to vector<16xi32>
        %mul3A_284 = arith.constant 2.550000e+02 : f32
        %mul3A_285 = vector.broadcast %mul3A_284 : f32 to vector<16xf32>
        %mul3A_286 = arith.mulf %get3A_131, %mul3A_285 : vector<16xf32>
        %convert_element_type3A_287 = arith.fptosi %mul3A_286 : vector<16xf32> to vector<16xi32>
        %mul3A_288 = arith.constant 256 : i32
        %mul3A_289 = vector.broadcast %mul3A_288 : i32 to vector<16xi32>
        %mul3A_290 = arith.muli %convert_element_type3A_287, %mul3A_289 : vector<16xi32>
        %add3A_291 = arith.addi %convert_element_type3A_283, %mul3A_290 : vector<16xi32>
        %add3A_292 = arith.constant 59168 : i32
        %add3A_293 = vector.broadcast %add3A_292 : i32 to vector<16xi32>
        %add3A_294 = arith.addi %add3A_291, %add3A_293 : vector<16xi32>
        %mul3A_295 = arith.constant 16 : i32
        %mul3A_296 = arith.muli %scan3A_120, %mul3A_295 : i32
        %add3A_297 = arith.constant 2048 : i32
        %add3A_298 = arith.addi %add3A_297, %mul3A_296 : i32
        %swap3A_299 = arith.index_cast %add3A_298 : i32 to index
        %swap3A_300 = tpu.vector_load %arg12[%swap3A_299] {strides = array<i32>} : memref<4096xi32, #tpu.memory_space<vmem>>, vector<16xi32>,
        tpu.vector_store %arg12[%swap3A_299], %add3A_294 {strides = array<i32>} : memref<4096xi32, #tpu.memory_space<vmem>>, vector<16xi32>,
        %add3A_301 = arith.constant 124704 : i32
        %add3A_302 = vector.broadcast %add3A_301 : i32 to vector<16xi32>
        %add3A_303 = arith.addi %add3A_291, %add3A_302 : vector<16xi32>
        %mul3A_304 = arith.constant 16 : i32
        %mul3A_305 = arith.muli %scan3A_120, %mul3A_304 : i32
        %add3A_306 = arith.constant 3072 : i32
        %add3A_307 = arith.addi %add3A_306, %mul3A_305 : i32
        %swap3A_308 = arith.index_cast %add3A_307 : i32 to index
        %swap3A_309 = tpu.vector_load %arg12[%swap3A_308] {strides = array<i32>} : memref<4096xi32, #tpu.memory_space<vmem>>, vector<16xi32>,
        tpu.vector_store %arg12[%swap3A_308], %add3A_303 {strides = array<i32>} : memref<4096xi32, #tpu.memory_space<vmem>>, vector<16xi32>,
        %scan3A_310 = arith.constant 1 : i32
        %scan3A_311 = arith.addi %scan3A_120, %scan3A_310 : i32
        %mul3A_312 = arith.constant 16 : i32
        %mul3A_313 = arith.muli %scan3A_311, %mul3A_312 : i32
        %add3A_314 = vector.broadcast %mul3A_313 : i32 to vector<16xi32>
        %add3A_315 = arith.addi %iota3A, %add3A_314 : vector<16xi32>
        %mul3A_316 = arith.constant 16 : i32
        %mul3A_317 = arith.muli %scan3A_311, %mul3A_316 : i32
        %get3A_318 = arith.index_cast %mul3A_317 : i32 to index
        %get3A_319 = tpu.vector_load %arg7[%get3A_318] {strides = array<i32>} : memref<1024xf32, #tpu.memory_space<vmem>>, vector<16xf32>,
        %mul3A_320 = arith.constant 16 : i32
        %mul3A_321 = arith.muli %scan3A_311, %mul3A_320 : i32
        %get3A_322 = arith.index_cast %mul3A_321 : i32 to index
        %get3A_323 = tpu.vector_load %arg8[%get3A_322] {strides = array<i32>} : memref<1024xf32, #tpu.memory_space<vmem>>, vector<16xf32>,
        %mul3A_324 = arith.constant 1.500000e+01 : f32
        %mul3A_325 = vector.broadcast %mul3A_324 : f32 to vector<16xf32>
        %mul3A_326 = arith.mulf %get3A_319, %mul3A_325 : vector<16xf32>
        %convert_element_type3A_327 = arith.fptosi %mul3A_326 : vector<16xf32> to vector<16xi32>
        %mul3A_328 = arith.constant 1.500000e+01 : f32
        %mul3A_329 = vector.broadcast %mul3A_328 : f32 to vector<16xf32>
        %mul3A_330 = arith.mulf %get3A_323, %mul3A_329 : vector<16xf32>
        %convert_element_type3A_331 = arith.fptosi %mul3A_330 : vector<16xf32> to vector<16xi32>
        %mul3A_332 = arith.constant 16 : i32
        %mul3A_333 = vector.broadcast %mul3A_332 : i32 to vector<16xi32>
        %mul3A_334 = arith.muli %convert_element_type3A_331, %mul3A_333 : vector<16xi32>
        %add3A_335 = arith.addi %convert_element_type3A_327, %mul3A_334 : vector<16xi32>
        %add3A_336 = arith.constant 0 : i32
        %add3A_337 = vector.broadcast %add3A_336 : i32 to vector<16xi32>
        %add3A_338 = arith.addi %add3A_335, %add3A_337 : vector<16xi32>
        %gather3A_339 = tpu.vector_load_idx %arg6[%add3A_338] : memref<48096xf32, #tpu.memory_space<vmem>>[vector<16xi32>], vector<16xf32>,
        tpu.vector_store_idx %arg14[%add3A_315, %add3A_9], %gather3A_339 : memref<1024x16xf32, #tpu.memory_space<vmem>>[vector<16xi32>, vector<16xi32>], vector<16xf32>,
        %add3A_340 = arith.constant 24048 : i32
        %add3A_341 = vector.broadcast %add3A_340 : i32 to vector<16xi32>
        %add3A_342 = arith.addi %add3A_335, %add3A_341 : vector<16xi32>
        %gather3A_343 = tpu.vector_load_idx %arg6[%add3A_342] : memref<48096xf32, #tpu.memory_space<vmem>>[vector<16xi32>], vector<16xf32>,
        tpu.vector_store_idx %arg14[%add3A_315, %add3A_33], %gather3A_343 : memref<1024x16xf32, #tpu.memory_space<vmem>>[vector<16xi32>, vector<16xi32>], vector<16xf32>,
        %mul3A_344 = arith.constant 2.200000e+01 : f32
        %mul3A_345 = vector.broadcast %mul3A_344 : f32 to vector<16xf32>
        %mul3A_346 = arith.mulf %get3A_319, %mul3A_345 : vector<16xf32>
        %convert_element_type3A_347 = arith.fptosi %mul3A_346 : vector<16xf32> to vector<16xi32>
        %mul3A_348 = arith.constant 2.200000e+01 : f32
        %mul3A_349 = vector.broadcast %mul3A_348 : f32 to vector<16xf32>
        %mul3A_350 = arith.mulf %get3A_323, %mul3A_349 : vector<16xf32>
        %convert_element_type3A_351 = arith.fptosi %mul3A_350 : vector<16xf32> to vector<16xi32>
        %mul3A_352 = arith.constant 23 : i32
        %mul3A_353 = vector.broadcast %mul3A_352 : i32 to vector<16xi32>
        %mul3A_354 = arith.muli %convert_element_type3A_351, %mul3A_353 : vector<16xi32>
        %add3A_355 = arith.addi %convert_element_type3A_347, %mul3A_354 : vector<16xi32>
        %add3A_356 = arith.constant 256 : i32
        %add3A_357 = vector.broadcast %add3A_356 : i32 to vector<16xi32>
        %add3A_358 = arith.addi %add3A_355, %add3A_357 : vector<16xi32>
        %gather3A_359 = tpu.vector_load_idx %arg6[%add3A_358] : memref<48096xf32, #tpu.memory_space<vmem>>[vector<16xi32>], vector<16xf32>,
        tpu.vector_store_idx %arg14[%add3A_315, %add3A_12], %gather3A_359 : memref<1024x16xf32, #tpu.memory_space<vmem>>[vector<16xi32>, vector<16xi32>], vector<16xf32>,
        %add3A_360 = arith.constant 24304 : i32
        %add3A_361 = vector.broadcast %add3A_360 : i32 to vector<16xi32>
        %add3A_362 = arith.addi %add3A_355, %add3A_361 : vector<16xi32>
        %gather3A_363 = tpu.vector_load_idx %arg6[%add3A_362] : memref<48096xf32, #tpu.memory_space<vmem>>[vector<16xi32>], vector<16xf32>,
        tpu.vector_store_idx %arg14[%add3A_315, %add3A_36], %gather3A_363 : memref<1024x16xf32, #tpu.memory_space<vmem>>[vector<16xi32>, vector<16xi32>], vector<16xf32>,
        %mul3A_364 = arith.constant 3.400000e+01 : f32
        %mul3A_365 = vector.broadcast %mul3A_364 : f32 to vector<16xf32>
        %mul3A_366 = arith.mulf %get3A_319, %mul3A_365 : vector<16xf32>
        %convert_element_type3A_367 = arith.fptosi %mul3A_366 : vector<16xf32> to vector<16xi32>
        %mul3A_368 = arith.constant 3.400000e+01 : f32
        %mul3A_369 = vector.broadcast %mul3A_368 : f32 to vector<16xf32>
        %mul3A_370 = arith.mulf %get3A_323, %mul3A_369 : vector<16xf32>
        %convert_element_type3A_371 = arith.fptosi %mul3A_370 : vector<16xf32> to vector<16xi32>
        %mul3A_372 = arith.constant 35 : i32
        %mul3A_373 = vector.broadcast %mul3A_372 : i32 to vector<16xi32>
        %mul3A_374 = arith.muli %convert_element_type3A_371, %mul3A_373 : vector<16xi32>
        %add3A_375 = arith.addi %convert_element_type3A_367, %mul3A_374 : vector<16xi32>
        %add3A_376 = arith.constant 792 : i32
        %add3A_377 = vector.broadcast %add3A_376 : i32 to vector<16xi32>
        %add3A_378 = arith.addi %add3A_375, %add3A_377 : vector<16xi32>
        %gather3A_379 = tpu.vector_load_idx %arg6[%add3A_378] : memref<48096xf32, #tpu.memory_space<vmem>>[vector<16xi32>], vector<16xf32>,
        tpu.vector_store_idx %arg14[%add3A_315, %add3A_15], %gather3A_379 : memref<1024x16xf32, #tpu.memory_space<vmem>>[vector<16xi32>, vector<16xi32>], vector<16xf32>,
        %add3A_380 = arith.constant 24840 : i32
        %add3A_381 = vector.broadcast %add3A_380 : i32 to vector<16xi32>
        %add3A_382 = arith.addi %add3A_375, %add3A_381 : vector<16xi32>
        %gather3A_383 = tpu.vector_load_idx %arg6[%add3A_382] : memref<48096xf32, #tpu.memory_space<vmem>>[vector<16xi32>], vector<16xf32>,
        tpu.vector_store_idx %arg14[%add3A_315, %add3A_39], %gather3A_383 : memref<1024x16xf32, #tpu.memory_space<vmem>>[vector<16xi32>, vector<16xi32>], vector<16xf32>,
        %mul3A_384 = arith.constant 5.100000e+01 : f32
        %mul3A_385 = vector.broadcast %mul3A_384 : f32 to vector<16xf32>
        %mul3A_386 = arith.mulf %get3A_319, %mul3A_385 : vector<16xf32>
        %convert_element_type3A_387 = arith.fptosi %mul3A_386 : vector<16xf32> to vector<16xi32>
        %mul3A_388 = arith.constant 5.100000e+01 : f32
        %mul3A_389 = vector.broadcast %mul3A_388 : f32 to vector<16xf32>
        %mul3A_390 = arith.mulf %get3A_323, %mul3A_389 : vector<16xf32>
        %convert_element_type3A_391 = arith.fptosi %mul3A_390 : vector<16xf32> to vector<16xi32>
        %mul3A_392 = arith.constant 52 : i32
        %mul3A_393 = vector.broadcast %mul3A_392 : i32 to vector<16xi32>
        %mul3A_394 = arith.muli %convert_element_type3A_391, %mul3A_393 : vector<16xi32>
        %add3A_395 = arith.addi %convert_element_type3A_387, %mul3A_394 : vector<16xi32>
        %add3A_396 = arith.constant 2024 : i32
        %add3A_397 = vector.broadcast %add3A_396 : i32 to vector<16xi32>
        %add3A_398 = arith.addi %add3A_395, %add3A_397 : vector<16xi32>
        %gather3A_399 = tpu.vector_load_idx %arg6[%add3A_398] : memref<48096xf32, #tpu.memory_space<vmem>>[vector<16xi32>], vector<16xf32>,
        tpu.vector_store_idx %arg14[%add3A_315, %add3A_18], %gather3A_399 : memref<1024x16xf32, #tpu.memory_space<vmem>>[vector<16xi32>, vector<16xi32>], vector<16xf32>,
        %add3A_400 = arith.constant 26072 : i32
        %add3A_401 = vector.broadcast %add3A_400 : i32 to vector<16xi32>
        %add3A_402 = arith.addi %add3A_395, %add3A_401 : vector<16xi32>
        %gather3A_403 = tpu.vector_load_idx %arg6[%add3A_402] : memref<48096xf32, #tpu.memory_space<vmem>>[vector<16xi32>], vector<16xf32>,
        tpu.vector_store_idx %arg14[%add3A_315, %add3A_42], %gather3A_403 : memref<1024x16xf32, #tpu.memory_space<vmem>>[vector<16xi32>, vector<16xi32>], vector<16xf32>,
        %mul3A_404 = arith.constant 7.700000e+01 : f32
        %mul3A_405 = vector.broadcast %mul3A_404 : f32 to vector<16xf32>
        %mul3A_406 = arith.mulf %get3A_319, %mul3A_405 : vector<16xf32>
        %convert_element_type3A_407 = arith.fptosi %mul3A_406 : vector<16xf32> to vector<16xi32>
        %mul3A_408 = arith.constant 7.700000e+01 : f32
        %mul3A_409 = vector.broadcast %mul3A_408 : f32 to vector<16xf32>
        %mul3A_410 = arith.mulf %get3A_323, %mul3A_409 : vector<16xf32>
        %convert_element_type3A_411 = arith.fptosi %mul3A_410 : vector<16xf32> to vector<16xi32>
        %mul3A_412 = arith.constant 78 : i32
        %mul3A_413 = vector.broadcast %mul3A_412 : i32 to vector<16xi32>
        %mul3A_414 = arith.muli %convert_element_type3A_411, %mul3A_413 : vector<16xi32>
        %add3A_415 = arith.addi %convert_element_type3A_407, %mul3A_414 : vector<16xi32>
        %add3A_416 = arith.constant 4728 : i32
        %add3A_417 = vector.broadcast %add3A_416 : i32 to vector<16xi32>
        %add3A_418 = arith.addi %add3A_415, %add3A_417 : vector<16xi32>
        %gather3A_419 = tpu.vector_load_idx %arg6[%add3A_418] : memref<48096xf32, #tpu.memory_space<vmem>>[vector<16xi32>], vector<16xf32>,
        tpu.vector_store_idx %arg14[%add3A_315, %add3A_21], %gather3A_419 : memref<1024x16xf32, #tpu.memory_space<vmem>>[vector<16xi32>, vector<16xi32>], vector<16xf32>,
        %add3A_420 = arith.constant 28776 : i32
        %add3A_421 = vector.broadcast %add3A_420 : i32 to vector<16xi32>
        %add3A_422 = arith.addi %add3A_415, %add3A_421 : vector<16xi32>
        %gather3A_423 = tpu.vector_load_idx %arg6[%add3A_422] : memref<48096xf32, #tpu.memory_space<vmem>>[vector<16xi32>], vector<16xf32>,
        tpu.vector_store_idx %arg14[%add3A_315, %add3A_45], %gather3A_423 : memref<1024x16xf32, #tpu.memory_space<vmem>>[vector<16xi32>, vector<16xi32>], vector<16xf32>,
        %mul3A_424 = arith.constant 1.140000e+02 : f32
        %mul3A_425 = vector.broadcast %mul3A_424 : f32 to vector<16xf32>
        %mul3A_426 = arith.mulf %get3A_319, %mul3A_425 : vector<16xf32>
        %convert_element_type3A_427 = arith.fptosi %mul3A_426 : vector<16xf32> to vector<16xi32>
        %mul3A_428 = arith.constant 1.140000e+02 : f32
        %mul3A_429 = vector.broadcast %mul3A_428 : f32 to vector<16xf32>
        %mul3A_430 = arith.mulf %get3A_323, %mul3A_429 : vector<16xf32>
        %convert_element_type3A_431 = arith.fptosi %mul3A_430 : vector<16xf32> to vector<16xi32>
        %mul3A_432 = arith.constant 115 : i32
        %mul3A_433 = vector.broadcast %mul3A_432 : i32 to vector<16xi32>
        %mul3A_434 = arith.muli %convert_element_type3A_431, %mul3A_433 : vector<16xi32>
        %add3A_435 = arith.addi %convert_element_type3A_427, %mul3A_434 : vector<16xi32>
        %add3A_436 = arith.constant 10816 : i32
        %add3A_437 = vector.broadcast %add3A_436 : i32 to vector<16xi32>
        %add3A_438 = arith.addi %add3A_435, %add3A_437 : vector<16xi32>
        %gather3A_439 = tpu.vector_load_idx %arg6[%add3A_438] : memref<48096xf32, #tpu.memory_space<vmem>>[vector<16xi32>], vector<16xf32>,
        tpu.vector_store_idx %arg14[%add3A_315, %add3A_24], %gather3A_439 : memref<1024x16xf32, #tpu.memory_space<vmem>>[vector<16xi32>, vector<16xi32>], vector<16xf32>,
        %add3A_440 = arith.constant 34864 : i32
        %add3A_441 = vector.broadcast %add3A_440 : i32 to vector<16xi32>
        %add3A_442 = arith.addi %add3A_435, %add3A_441 : vector<16xi32>
        %gather3A_443 = tpu.vector_load_idx %arg6[%add3A_442] : memref<48096xf32, #tpu.memory_space<vmem>>[vector<16xi32>], vector<16xf32>,
        tpu.vector_store_idx %arg14[%add3A_315, %add3A_48], %gather3A_443 : memref<1024x16xf32, #tpu.memory_space<vmem>>[vector<16xi32>, vector<16xi32>], vector<16xf32>,
        %mul3A_444 = arith.constant 1.710000e+02 : f32
        %mul3A_445 = vector.broadcast %mul3A_444 : f32 to vector<16xf32>
        %mul3A_446 = arith.mulf %get3A_319, %mul3A_445 : vector<16xf32>
        %convert_element_type3A_447 = arith.fptosi %mul3A_446 : vector<16xf32> to vector<16xi32>
        %mul3A_448 = arith.constant 1.710000e+02 : f32
        %mul3A_449 = vector.broadcast %mul3A_448 : f32 to vector<16xf32>
        %mul3A_450 = arith.mulf %get3A_323, %mul3A_449 : vector<16xf32>
        %convert_element_type3A_451 = arith.fptosi %mul3A_450 : vector<16xf32> to vector<16xi32>
        %mul3A_452 = arith.constant 172 : i32
        %mul3A_453 = vector.broadcast %mul3A_452 : i32 to vector<16xi32>
        %mul3A_454 = arith.muli %convert_element_type3A_451, %mul3A_453 : vector<16xi32>
        %add3A_455 = arith.addi %convert_element_type3A_447, %mul3A_454 : vector<16xi32>
        %add3A_456 = arith.constant 0 : i32
        %add3A_457 = vector.broadcast %add3A_456 : i32 to vector<16xi32>
        %add3A_458 = arith.addi %add3A_455, %add3A_457 : vector<16xi32>
        %mul3A_459 = arith.constant 16 : i32
        %mul3A_460 = arith.muli %scan3A_311, %mul3A_459 : i32
        %add3A_461 = arith.constant 0 : i32
        %add3A_462 = arith.addi %add3A_461, %mul3A_460 : i32
        %swap3A_463 = arith.index_cast %add3A_462 : i32 to index
        %swap3A_464 = tpu.vector_load %arg12[%swap3A_463] {strides = array<i32>} : memref<4096xi32, #tpu.memory_space<vmem>>, vector<16xi32>,
        tpu.vector_store %arg12[%swap3A_463], %add3A_458 {strides = array<i32>} : memref<4096xi32, #tpu.memory_space<vmem>>, vector<16xi32>,
        %add3A_465 = arith.constant 29584 : i32
        %add3A_466 = vector.broadcast %add3A_465 : i32 to vector<16xi32>
        %add3A_467 = arith.addi %add3A_455, %add3A_466 : vector<16xi32>
        %mul3A_468 = arith.constant 16 : i32
        %mul3A_469 = arith.muli %scan3A_311, %mul3A_468 : i32
        %add3A_470 = arith.constant 1024 : i32
        %add3A_471 = arith.addi %add3A_470, %mul3A_469 : i32
        %swap3A_472 = arith.index_cast %add3A_471 : i32 to index
        %swap3A_473 = tpu.vector_load %arg12[%swap3A_472] {strides = array<i32>} : memref<4096xi32, #tpu.memory_space<vmem>>, vector<16xi32>,
        tpu.vector_store %arg12[%swap3A_472], %add3A_467 {strides = array<i32>} : memref<4096xi32, #tpu.memory_space<vmem>>, vector<16xi32>,
        %mul3A_474 = arith.constant 2.550000e+02 : f32
        %mul3A_475 = vector.broadcast %mul3A_474 : f32 to vector<16xf32>
        %mul3A_476 = arith.mulf %get3A_319, %mul3A_475 : vector<16xf32>
        %convert_element_type3A_477 = arith.fptosi %mul3A_476 : vector<16xf32> to vector<16xi32>
        %mul3A_478 = arith.constant 2.550000e+02 : f32
        %mul3A_479 = vector.broadcast %mul3A_478 : f32 to vector<16xf32>
        %mul3A_480 = arith.mulf %get3A_323, %mul3A_479 : vector<16xf32>
        %convert_element_type3A_481 = arith.fptosi %mul3A_480 : vector<16xf32> to vector<16xi32>
        %mul3A_482 = arith.constant 256 : i32
        %mul3A_483 = vector.broadcast %mul3A_482 : i32 to vector<16xi32>
        %mul3A_484 = arith.muli %convert_element_type3A_481, %mul3A_483 : vector<16xi32>
        %add3A_485 = arith.addi %convert_element_type3A_477, %mul3A_484 : vector<16xi32>
        %add3A_486 = arith.constant 59168 : i32
        %add3A_487 = vector.broadcast %add3A_486 : i32 to vector<16xi32>
        %add3A_488 = arith.addi %add3A_485, %add3A_487 : vector<16xi32>
        %mul3A_489 = arith.constant 16 : i32
        %mul3A_490 = arith.muli %scan3A_311, %mul3A_489 : i32
        %add3A_491 = arith.constant 2048 : i32
        %add3A_492 = arith.addi %add3A_491, %mul3A_490 : i32
        %swap3A_493 = arith.index_cast %add3A_492 : i32 to index
        %swap3A_494 = tpu.vector_load %arg12[%swap3A_493] {strides = array<i32>} : memref<4096xi32, #tpu.memory_space<vmem>>, vector<16xi32>,
        tpu.vector_store %arg12[%swap3A_493], %add3A_488 {strides = array<i32>} : memref<4096xi32, #tpu.memory_space<vmem>>, vector<16xi32>,
        %add3A_495 = arith.constant 124704 : i32
        %add3A_496 = vector.broadcast %add3A_495 : i32 to vector<16xi32>
        %add3A_497 = arith.addi %add3A_485, %add3A_496 : vector<16xi32>
        %mul3A_498 = arith.constant 16 : i32
        %mul3A_499 = arith.muli %scan3A_311, %mul3A_498 : i32
        %add3A_500 = arith.constant 3072 : i32
        %add3A_501 = arith.addi %add3A_500, %mul3A_499 : i32
        %swap3A_502 = arith.index_cast %add3A_501 : i32 to index
        %swap3A_503 = tpu.vector_load %arg12[%swap3A_502] {strides = array<i32>} : memref<4096xi32, #tpu.memory_space<vmem>>, vector<16xi32>,
        tpu.vector_store %arg12[%swap3A_502], %add3A_497 {strides = array<i32>} : memref<4096xi32, #tpu.memory_space<vmem>>, vector<16xi32>,
      }
      %scan3A_90 = arith.constant 64 : i32
      %dma_start3A_91 = arith.constant 0 : i32
      %dma_start3A_92 = tpu.memref_slice %arg15[%dma_start3A_91] : memref<190240xf32, #tpu.memory_space<vmem_shared>> -> memref<190240xf32, #tpu.memory_space<vmem_shared>>
      tpu.enqueue_indirect_dma source(%dma_start3A_92 : memref<190240xf32, #tpu.memory_space<vmem_shared>>) target(%arg13 : memref<4096xf32, #tpu.memory_space<vmem>>) offsets(%arg12 : memref<4096xi32, #tpu.memory_space<vmem>>) semaphore(%arg17 : memref<!tpu.dma_semaphore, #tpu.memory_space<semaphore_mem>>)
      %dma_wait3A = arith.constant 0 : i32
      %dma_wait3A_93 = tpu.memref_slice %arg15[%dma_wait3A] : memref<190240xf32, #tpu.memory_space<vmem_shared>> -> memref<190240xf32, #tpu.memory_space<vmem_shared>>
      tpu.wait_indirect_dma semaphore(%arg16 : memref<!tpu.dma_semaphore, #tpu.memory_space<semaphore_mem>>) src(%dma_wait3A_93 : memref<190240xf32, #tpu.memory_space<vmem_shared>>) dst(%arg10 : memref<4096xf32, #tpu.memory_space<vmem>>)
      %scan3A_94 = arith.constant 0 : i32
      %scan3A_95 = arith.constant 0 : i32
      %scan3A_96 = arith.constant 64 : i32
      %scan3A_97 = arith.addi %scan3A_95, %scan3A_96 : i32
      %scan3A_98 = arith.constant 4 : i32
      scf.for %scan3A_120 = %scan3A_95 to %scan3A_97 step %scan3A_98  : i32 {
        %mul3A_121 = arith.constant 16 : i32
        %mul3A_122 = arith.muli %scan3A_120, %mul3A_121 : i32
        %add3A_123 = vector.broadcast %mul3A_122 : i32 to vector<16xi32>
        %add3A_124 = arith.addi %iota3A, %add3A_123 : vector<16xi32>
        %mul3A_125 = arith.constant 16 : i32
        %mul3A_126 = arith.muli %scan3A_120, %mul3A_125 : i32
        %add3A_127 = arith.constant 0 : i32
        %add3A_128 = arith.addi %add3A_127, %mul3A_126 : i32
        %get3A = arith.index_cast %add3A_128 : i32 to index
        %get3A_129 = tpu.vector_load %arg10[%get3A] {strides = array<i32>} : memref<4096xf32, #tpu.memory_space<vmem>>, vector<16xf32>,
        tpu.vector_store_idx %arg11[%add3A_124, %add3A_27], %get3A_129 : memref<1024x16xf32, #tpu.memory_space<vmem>>[vector<16xi32>, vector<16xi32>], vector<16xf32>,
        %mul3A_130 = arith.constant 16 : i32
        %mul3A_131 = arith.muli %scan3A_120, %mul3A_130 : i32
        %add3A_132 = arith.constant 1024 : i32
        %add3A_133 = arith.addi %add3A_132, %mul3A_131 : i32
        %get3A_134 = arith.index_cast %add3A_133 : i32 to index
        %get3A_135 = tpu.vector_load %arg10[%get3A_134] {strides = array<i32>} : memref<4096xf32, #tpu.memory_space<vmem>>, vector<16xf32>,
        tpu.vector_store_idx %arg11[%add3A_124, %add3A_51], %get3A_135 : memref<1024x16xf32, #tpu.memory_space<vmem>>[vector<16xi32>, vector<16xi32>], vector<16xf32>,
        %mul3A_136 = arith.constant 16 : i32
        %mul3A_137 = arith.muli %scan3A_120, %mul3A_136 : i32
        %add3A_138 = arith.constant 2048 : i32
        %add3A_139 = arith.addi %add3A_138, %mul3A_137 : i32
        %get3A_140 = arith.index_cast %add3A_139 : i32 to index
        %get3A_141 = tpu.vector_load %arg10[%get3A_140] {strides = array<i32>} : memref<4096xf32, #tpu.memory_space<vmem>>, vector<16xf32>,
        tpu.vector_store_idx %arg11[%add3A_124, %add3A_30], %get3A_141 : memref<1024x16xf32, #tpu.memory_space<vmem>>[vector<16xi32>, vector<16xi32>], vector<16xf32>,
        %mul3A_142 = arith.constant 16 : i32
        %mul3A_143 = arith.muli %scan3A_120, %mul3A_142 : i32
        %add3A_144 = arith.constant 3072 : i32
        %add3A_145 = arith.addi %add3A_144, %mul3A_143 : i32
        %get3A_146 = arith.index_cast %add3A_145 : i32 to index
        %get3A_147 = tpu.vector_load %arg10[%get3A_146] {strides = array<i32>} : memref<4096xf32, #tpu.memory_space<vmem>>, vector<16xf32>,
        tpu.vector_store_idx %arg11[%add3A_124, %add3A_54], %get3A_147 : memref<1024x16xf32, #tpu.memory_space<vmem>>[vector<16xi32>, vector<16xi32>], vector<16xf32>,
        %scan3A_148 = arith.constant 1 : i32
        %scan3A_149 = arith.addi %scan3A_120, %scan3A_148 : i32
        %mul3A_150 = arith.constant 16 : i32
        %mul3A_151 = arith.muli %scan3A_149, %mul3A_150 : i32
        %add3A_152 = vector.broadcast %mul3A_151 : i32 to vector<16xi32>
        %add3A_153 = arith.addi %iota3A, %add3A_152 : vector<16xi32>
        %mul3A_154 = arith.constant 16 : i32
        %mul3A_155 = arith.muli %scan3A_149, %mul3A_154 : i32
        %add3A_156 = arith.constant 0 : i32
        %add3A_157 = arith.addi %add3A_156, %mul3A_155 : i32
        %get3A_158 = arith.index_cast %add3A_157 : i32 to index
        %get3A_159 = tpu.vector_load %arg10[%get3A_158] {strides = array<i32>} : memref<4096xf32, #tpu.memory_space<vmem>>, vector<16xf32>,
        tpu.vector_store_idx %arg11[%add3A_153, %add3A_27], %get3A_159 : memref<1024x16xf32, #tpu.memory_space<vmem>>[vector<16xi32>, vector<16xi32>], vector<16xf32>,
        %mul3A_160 = arith.constant 16 : i32
        %mul3A_161 = arith.muli %scan3A_149, %mul3A_160 : i32
        %add3A_162 = arith.constant 1024 : i32
        %add3A_163 = arith.addi %add3A_162, %mul3A_161 : i32
        %get3A_164 = arith.index_cast %add3A_163 : i32 to index
        %get3A_165 = tpu.vector_load %arg10[%get3A_164] {strides = array<i32>} : memref<4096xf32, #tpu.memory_space<vmem>>, vector<16xf32>,
        tpu.vector_store_idx %arg11[%add3A_153, %add3A_51], %get3A_165 : memref<1024x16xf32, #tpu.memory_space<vmem>>[vector<16xi32>, vector<16xi32>], vector<16xf32>,
        %mul3A_166 = arith.constant 16 : i32
        %mul3A_167 = arith.muli %scan3A_149, %mul3A_166 : i32
        %add3A_168 = arith.constant 2048 : i32
        %add3A_169 = arith.addi %add3A_168, %mul3A_167 : i32
        %get3A_170 = arith.index_cast %add3A_169 : i32 to index
        %get3A_171 = tpu.vector_load %arg10[%get3A_170] {strides = array<i32>} : memref<4096xf32, #tpu.memory_space<vmem>>, vector<16xf32>,
        tpu.vector_store_idx %arg11[%add3A_153, %add3A_30], %get3A_171 : memref<1024x16xf32, #tpu.memory_space<vmem>>[vector<16xi32>, vector<16xi32>], vector<16xf32>,
        %mul3A_172 = arith.constant 16 : i32
        %mul3A_173 = arith.muli %scan3A_149, %mul3A_172 : i32
        %add3A_174 = arith.constant 3072 : i32
        %add3A_175 = arith.addi %add3A_174, %mul3A_173 : i32
        %get3A_176 = arith.index_cast %add3A_175 : i32 to index
        %get3A_177 = tpu.vector_load %arg10[%get3A_176] {strides = array<i32>} : memref<4096xf32, #tpu.memory_space<vmem>>, vector<16xf32>,
        tpu.vector_store_idx %arg11[%add3A_153, %add3A_54], %get3A_177 : memref<1024x16xf32, #tpu.memory_space<vmem>>[vector<16xi32>, vector<16xi32>], vector<16xf32>,
        %scan3A_178 = arith.constant 2 : i32
        %scan3A_179 = arith.addi %scan3A_120, %scan3A_178 : i32
        %mul3A_180 = arith.constant 16 : i32
        %mul3A_181 = arith.muli %scan3A_179, %mul3A_180 : i32
        %add3A_182 = vector.broadcast %mul3A_181 : i32 to vector<16xi32>
        %add3A_183 = arith.addi %iota3A, %add3A_182 : vector<16xi32>
        %mul3A_184 = arith.constant 16 : i32
        %mul3A_185 = arith.muli %scan3A_179, %mul3A_184 : i32
        %add3A_186 = arith.constant 0 : i32
        %add3A_187 = arith.addi %add3A_186, %mul3A_185 : i32
        %get3A_188 = arith.index_cast %add3A_187 : i32 to index
        %get3A_189 = tpu.vector_load %arg10[%get3A_188] {strides = array<i32>} : memref<4096xf32, #tpu.memory_space<vmem>>, vector<16xf32>,
        tpu.vector_store_idx %arg11[%add3A_183, %add3A_27], %get3A_189 : memref<1024x16xf32, #tpu.memory_space<vmem>>[vector<16xi32>, vector<16xi32>], vector<16xf32>,
        %mul3A_190 = arith.constant 16 : i32
        %mul3A_191 = arith.muli %scan3A_179, %mul3A_190 : i32
        %add3A_192 = arith.constant 1024 : i32
        %add3A_193 = arith.addi %add3A_192, %mul3A_191 : i32
        %get3A_194 = arith.index_cast %add3A_193 : i32 to index
        %get3A_195 = tpu.vector_load %arg10[%get3A_194] {strides = array<i32>} : memref<4096xf32, #tpu.memory_space<vmem>>, vector<16xf32>,
        tpu.vector_store_idx %arg11[%add3A_183, %add3A_51], %get3A_195 : memref<1024x16xf32, #tpu.memory_space<vmem>>[vector<16xi32>, vector<16xi32>], vector<16xf32>,
        %mul3A_196 = arith.constant 16 : i32
        %mul3A_197 = arith.muli %scan3A_179, %mul3A_196 : i32
        %add3A_198 = arith.constant 2048 : i32
        %add3A_199 = arith.addi %add3A_198, %mul3A_197 : i32
        %get3A_200 = arith.index_cast %add3A_199 : i32 to index
        %get3A_201 = tpu.vector_load %arg10[%get3A_200] {strides = array<i32>} : memref<4096xf32, #tpu.memory_space<vmem>>, vector<16xf32>,
        tpu.vector_store_idx %arg11[%add3A_183, %add3A_30], %get3A_201 : memref<1024x16xf32, #tpu.memory_space<vmem>>[vector<16xi32>, vector<16xi32>], vector<16xf32>,
        %mul3A_202 = arith.constant 16 : i32
        %mul3A_203 = arith.muli %scan3A_179, %mul3A_202 : i32
        %add3A_204 = arith.constant 3072 : i32
        %add3A_205 = arith.addi %add3A_204, %mul3A_203 : i32
        %get3A_206 = arith.index_cast %add3A_205 : i32 to index
        %get3A_207 = tpu.vector_load %arg10[%get3A_206] {strides = array<i32>} : memref<4096xf32, #tpu.memory_space<vmem>>, vector<16xf32>,
        tpu.vector_store_idx %arg11[%add3A_183, %add3A_54], %get3A_207 : memref<1024x16xf32, #tpu.memory_space<vmem>>[vector<16xi32>, vector<16xi32>], vector<16xf32>,
        %scan3A_208 = arith.constant 3 : i32
        %scan3A_209 = arith.addi %scan3A_120, %scan3A_208 : i32
        %mul3A_210 = arith.constant 16 : i32
        %mul3A_211 = arith.muli %scan3A_209, %mul3A_210 : i32
        %add3A_212 = vector.broadcast %mul3A_211 : i32 to vector<16xi32>
        %add3A_213 = arith.addi %iota3A, %add3A_212 : vector<16xi32>
        %mul3A_214 = arith.constant 16 : i32
        %mul3A_215 = arith.muli %scan3A_209, %mul3A_214 : i32
        %add3A_216 = arith.constant 0 : i32
        %add3A_217 = arith.addi %add3A_216, %mul3A_215 : i32
        %get3A_218 = arith.index_cast %add3A_217 : i32 to index
        %get3A_219 = tpu.vector_load %arg10[%get3A_218] {strides = array<i32>} : memref<4096xf32, #tpu.memory_space<vmem>>, vector<16xf32>,
        tpu.vector_store_idx %arg11[%add3A_213, %add3A_27], %get3A_219 : memref<1024x16xf32, #tpu.memory_space<vmem>>[vector<16xi32>, vector<16xi32>], vector<16xf32>,
        %mul3A_220 = arith.constant 16 : i32
        %mul3A_221 = arith.muli %scan3A_209, %mul3A_220 : i32
        %add3A_222 = arith.constant 1024 : i32
        %add3A_223 = arith.addi %add3A_222, %mul3A_221 : i32
        %get3A_224 = arith.index_cast %add3A_223 : i32 to index
        %get3A_225 = tpu.vector_load %arg10[%get3A_224] {strides = array<i32>} : memref<4096xf32, #tpu.memory_space<vmem>>, vector<16xf32>,
        tpu.vector_store_idx %arg11[%add3A_213, %add3A_51], %get3A_225 : memref<1024x16xf32, #tpu.memory_space<vmem>>[vector<16xi32>, vector<16xi32>], vector<16xf32>,
        %mul3A_226 = arith.constant 16 : i32
        %mul3A_227 = arith.muli %scan3A_209, %mul3A_226 : i32
        %add3A_228 = arith.constant 2048 : i32
        %add3A_229 = arith.addi %add3A_228, %mul3A_227 : i32
        %get3A_230 = arith.index_cast %add3A_229 : i32 to index
        %get3A_231 = tpu.vector_load %arg10[%get3A_230] {strides = array<i32>} : memref<4096xf32, #tpu.memory_space<vmem>>, vector<16xf32>,
        tpu.vector_store_idx %arg11[%add3A_213, %add3A_30], %get3A_231 : memref<1024x16xf32, #tpu.memory_space<vmem>>[vector<16xi32>, vector<16xi32>], vector<16xf32>,
        %mul3A_232 = arith.constant 16 : i32
        %mul3A_233 = arith.muli %scan3A_209, %mul3A_232 : i32
        %add3A_234 = arith.constant 3072 : i32
        %add3A_235 = arith.addi %add3A_234, %mul3A_233 : i32
        %get3A_236 = arith.index_cast %add3A_235 : i32 to index
        %get3A_237 = tpu.vector_load %arg10[%get3A_236] {strides = array<i32>} : memref<4096xf32, #tpu.memory_space<vmem>>, vector<16xf32>,
        tpu.vector_store_idx %arg11[%add3A_213, %add3A_54], %get3A_237 : memref<1024x16xf32, #tpu.memory_space<vmem>>[vector<16xi32>, vector<16xi32>], vector<16xf32>,
      }
      %scan3A_99 = arith.constant 64 : i32
      %mul3A_100 = arith.constant 32768 : i32
      %mul3A_101 = arith.muli %add3A, %mul3A_100 : i32
      %mul3A_102 = arith.constant 1024 : i32
      %mul3A_103 = arith.muli %mul3A_64, %mul3A_102 : i32
      %add3A_104 = arith.addi %mul3A_101, %mul3A_103 : i32
      %multiple_of3A_105 = tpu.assume_multiple %add3A_104, 1024 : i32
      "tpu.region"() ({
        %run_scoped3A = tpu.sem_alloc : memref<!tpu.dma_semaphore, #tpu.memory_space<semaphore_mem>>
        %dma_start3A_120 = arith.constant 0 : i32
        %dma_start3A_121 = tpu.memref_slice %arg5[%multiple_of3A_105, %dma_start3A_120] : memref<1048576x16xf32, #tpu.memory_space<hbm>> -> memref<1024x16xf32, #tpu.memory_space<hbm>>
        %dma_start3A_122 = arith.constant 0 : i32
        %dma_start3A_123 = tpu.memref_slice %arg5[%multiple_of3A_105, %dma_start3A_122] : memref<1048576x16xf32, #tpu.memory_space<hbm>> -> memref<1024x16xf32, #tpu.memory_space<hbm>>
        tpu.enqueue_dma source(%arg11 : memref<1024x16xf32, #tpu.memory_space<vmem>>) target(%dma_start3A_123 : memref<1024x16xf32, #tpu.memory_space<hbm>>) target_semaphore(%run_scoped3A : memref<!tpu.dma_semaphore, #tpu.memory_space<semaphore_mem>>)
        %dma_wait3A_124 = arith.constant 0 : i32
        %dma_wait3A_125 = tpu.memref_slice %arg5[%multiple_of3A_105, %dma_wait3A_124] : memref<1048576x16xf32, #tpu.memory_space<hbm>> -> memref<1024x16xf32, #tpu.memory_space<hbm>>
        %dma_wait3A_126 = arith.constant 0 : i32
        %dma_wait3A_127 = tpu.memref_slice %arg5[%multiple_of3A_105, %dma_wait3A_126] : memref<1048576x16xf32, #tpu.memory_space<hbm>> -> memref<1024x16xf32, #tpu.memory_space<hbm>>
        tpu.wait_dma2 semaphore(%run_scoped3A : memref<!tpu.dma_semaphore, #tpu.memory_space<semaphore_mem>>) src(%arg11 : memref<1024x16xf32, #tpu.memory_space<vmem>>) dst(%dma_wait3A_127 : memref<1024x16xf32, #tpu.memory_space<hbm>>)
        tpu.yield
      }) : () -> ()
      %dma_wait3A_106 = arith.constant 0 : i32
      %dma_wait3A_107 = tpu.memref_slice %arg15[%dma_wait3A_106] : memref<190240xf32, #tpu.memory_space<vmem_shared>> -> memref<190240xf32, #tpu.memory_space<vmem_shared>>
      tpu.wait_indirect_dma semaphore(%arg17 : memref<!tpu.dma_semaphore, #tpu.memory_space<semaphore_mem>>) src(%dma_wait3A_107 : memref<190240xf32, #tpu.memory_space<vmem_shared>>) dst(%arg13 : memref<4096xf32, #tpu.memory_space<vmem>>)
      %scan3A_108 = arith.constant 0 : i32
      %scan3A_109 = arith.constant 0 : i32
      %scan3A_110 = arith.constant 64 : i32
      %scan3A_111 = arith.addi %scan3A_109, %scan3A_110 : i32
      %scan3A_112 = arith.constant 4 : i32
      scf.for %scan3A_120 = %scan3A_109 to %scan3A_111 step %scan3A_112  : i32 {
        %mul3A_121 = arith.constant 16 : i32
        %mul3A_122 = arith.muli %scan3A_120, %mul3A_121 : i32
        %add3A_123 = vector.broadcast %mul3A_122 : i32 to vector<16xi32>
        %add3A_124 = arith.addi %iota3A, %add3A_123 : vector<16xi32>
        %mul3A_125 = arith.constant 16 : i32
        %mul3A_126 = arith.muli %scan3A_120, %mul3A_125 : i32
        %add3A_127 = arith.constant 0 : i32
        %add3A_128 = arith.addi %add3A_127, %mul3A_126 : i32
        %get3A = arith.index_cast %add3A_128 : i32 to index
        %get3A_129 = tpu.vector_load %arg13[%get3A] {strides = array<i32>} : memref<4096xf32, #tpu.memory_space<vmem>>, vector<16xf32>,
        tpu.vector_store_idx %arg14[%add3A_124, %add3A_27], %get3A_129 : memref<1024x16xf32, #tpu.memory_space<vmem>>[vector<16xi32>, vector<16xi32>], vector<16xf32>,
        %mul3A_130 = arith.constant 16 : i32
        %mul3A_131 = arith.muli %scan3A_120, %mul3A_130 : i32
        %add3A_132 = arith.constant 1024 : i32
        %add3A_133 = arith.addi %add3A_132, %mul3A_131 : i32
        %get3A_134 = arith.index_cast %add3A_133 : i32 to index
        %get3A_135 = tpu.vector_load %arg13[%get3A_134] {strides = array<i32>} : memref<4096xf32, #tpu.memory_space<vmem>>, vector<16xf32>,
        tpu.vector_store_idx %arg14[%add3A_124, %add3A_51], %get3A_135 : memref<1024x16xf32, #tpu.memory_space<vmem>>[vector<16xi32>, vector<16xi32>], vector<16xf32>,
        %mul3A_136 = arith.constant 16 : i32
        %mul3A_137 = arith.muli %scan3A_120, %mul3A_136 : i32
        %add3A_138 = arith.constant 2048 : i32
        %add3A_139 = arith.addi %add3A_138, %mul3A_137 : i32
        %get3A_140 = arith.index_cast %add3A_139 : i32 to index
        %get3A_141 = tpu.vector_load %arg13[%get3A_140] {strides = array<i32>} : memref<4096xf32, #tpu.memory_space<vmem>>, vector<16xf32>,
        tpu.vector_store_idx %arg14[%add3A_124, %add3A_30], %get3A_141 : memref<1024x16xf32, #tpu.memory_space<vmem>>[vector<16xi32>, vector<16xi32>], vector<16xf32>,
        %mul3A_142 = arith.constant 16 : i32
        %mul3A_143 = arith.muli %scan3A_120, %mul3A_142 : i32
        %add3A_144 = arith.constant 3072 : i32
        %add3A_145 = arith.addi %add3A_144, %mul3A_143 : i32
        %get3A_146 = arith.index_cast %add3A_145 : i32 to index
        %get3A_147 = tpu.vector_load %arg13[%get3A_146] {strides = array<i32>} : memref<4096xf32, #tpu.memory_space<vmem>>, vector<16xf32>,
        tpu.vector_store_idx %arg14[%add3A_124, %add3A_54], %get3A_147 : memref<1024x16xf32, #tpu.memory_space<vmem>>[vector<16xi32>, vector<16xi32>], vector<16xf32>,
        %scan3A_148 = arith.constant 1 : i32
        %scan3A_149 = arith.addi %scan3A_120, %scan3A_148 : i32
        %mul3A_150 = arith.constant 16 : i32
        %mul3A_151 = arith.muli %scan3A_149, %mul3A_150 : i32
        %add3A_152 = vector.broadcast %mul3A_151 : i32 to vector<16xi32>
        %add3A_153 = arith.addi %iota3A, %add3A_152 : vector<16xi32>
        %mul3A_154 = arith.constant 16 : i32
        %mul3A_155 = arith.muli %scan3A_149, %mul3A_154 : i32
        %add3A_156 = arith.constant 0 : i32
        %add3A_157 = arith.addi %add3A_156, %mul3A_155 : i32
        %get3A_158 = arith.index_cast %add3A_157 : i32 to index
        %get3A_159 = tpu.vector_load %arg13[%get3A_158] {strides = array<i32>} : memref<4096xf32, #tpu.memory_space<vmem>>, vector<16xf32>,
        tpu.vector_store_idx %arg14[%add3A_153, %add3A_27], %get3A_159 : memref<1024x16xf32, #tpu.memory_space<vmem>>[vector<16xi32>, vector<16xi32>], vector<16xf32>,
        %mul3A_160 = arith.constant 16 : i32
        %mul3A_161 = arith.muli %scan3A_149, %mul3A_160 : i32
        %add3A_162 = arith.constant 1024 : i32
        %add3A_163 = arith.addi %add3A_162, %mul3A_161 : i32
        %get3A_164 = arith.index_cast %add3A_163 : i32 to index
        %get3A_165 = tpu.vector_load %arg13[%get3A_164] {strides = array<i32>} : memref<4096xf32, #tpu.memory_space<vmem>>, vector<16xf32>,
        tpu.vector_store_idx %arg14[%add3A_153, %add3A_51], %get3A_165 : memref<1024x16xf32, #tpu.memory_space<vmem>>[vector<16xi32>, vector<16xi32>], vector<16xf32>,
        %mul3A_166 = arith.constant 16 : i32
        %mul3A_167 = arith.muli %scan3A_149, %mul3A_166 : i32
        %add3A_168 = arith.constant 2048 : i32
        %add3A_169 = arith.addi %add3A_168, %mul3A_167 : i32
        %get3A_170 = arith.index_cast %add3A_169 : i32 to index
        %get3A_171 = tpu.vector_load %arg13[%get3A_170] {strides = array<i32>} : memref<4096xf32, #tpu.memory_space<vmem>>, vector<16xf32>,
        tpu.vector_store_idx %arg14[%add3A_153, %add3A_30], %get3A_171 : memref<1024x16xf32, #tpu.memory_space<vmem>>[vector<16xi32>, vector<16xi32>], vector<16xf32>,
        %mul3A_172 = arith.constant 16 : i32
        %mul3A_173 = arith.muli %scan3A_149, %mul3A_172 : i32
        %add3A_174 = arith.constant 3072 : i32
        %add3A_175 = arith.addi %add3A_174, %mul3A_173 : i32
        %get3A_176 = arith.index_cast %add3A_175 : i32 to index
        %get3A_177 = tpu.vector_load %arg13[%get3A_176] {strides = array<i32>} : memref<4096xf32, #tpu.memory_space<vmem>>, vector<16xf32>,
        tpu.vector_store_idx %arg14[%add3A_153, %add3A_54], %get3A_177 : memref<1024x16xf32, #tpu.memory_space<vmem>>[vector<16xi32>, vector<16xi32>], vector<16xf32>,
        %scan3A_178 = arith.constant 2 : i32
        %scan3A_179 = arith.addi %scan3A_120, %scan3A_178 : i32
        %mul3A_180 = arith.constant 16 : i32
        %mul3A_181 = arith.muli %scan3A_179, %mul3A_180 : i32
        %add3A_182 = vector.broadcast %mul3A_181 : i32 to vector<16xi32>
        %add3A_183 = arith.addi %iota3A, %add3A_182 : vector<16xi32>
        %mul3A_184 = arith.constant 16 : i32
        %mul3A_185 = arith.muli %scan3A_179, %mul3A_184 : i32
        %add3A_186 = arith.constant 0 : i32
        %add3A_187 = arith.addi %add3A_186, %mul3A_185 : i32
        %get3A_188 = arith.index_cast %add3A_187 : i32 to index
        %get3A_189 = tpu.vector_load %arg13[%get3A_188] {strides = array<i32>} : memref<4096xf32, #tpu.memory_space<vmem>>, vector<16xf32>,
        tpu.vector_store_idx %arg14[%add3A_183, %add3A_27], %get3A_189 : memref<1024x16xf32, #tpu.memory_space<vmem>>[vector<16xi32>, vector<16xi32>], vector<16xf32>,
        %mul3A_190 = arith.constant 16 : i32
        %mul3A_191 = arith.muli %scan3A_179, %mul3A_190 : i32
        %add3A_192 = arith.constant 1024 : i32
        %add3A_193 = arith.addi %add3A_192, %mul3A_191 : i32
        %get3A_194 = arith.index_cast %add3A_193 : i32 to index
        %get3A_195 = tpu.vector_load %arg13[%get3A_194] {strides = array<i32>} : memref<4096xf32, #tpu.memory_space<vmem>>, vector<16xf32>,
        tpu.vector_store_idx %arg14[%add3A_183, %add3A_51], %get3A_195 : memref<1024x16xf32, #tpu.memory_space<vmem>>[vector<16xi32>, vector<16xi32>], vector<16xf32>,
        %mul3A_196 = arith.constant 16 : i32
        %mul3A_197 = arith.muli %scan3A_179, %mul3A_196 : i32
        %add3A_198 = arith.constant 2048 : i32
        %add3A_199 = arith.addi %add3A_198, %mul3A_197 : i32
        %get3A_200 = arith.index_cast %add3A_199 : i32 to index
        %get3A_201 = tpu.vector_load %arg13[%get3A_200] {strides = array<i32>} : memref<4096xf32, #tpu.memory_space<vmem>>, vector<16xf32>,
        tpu.vector_store_idx %arg14[%add3A_183, %add3A_30], %get3A_201 : memref<1024x16xf32, #tpu.memory_space<vmem>>[vector<16xi32>, vector<16xi32>], vector<16xf32>,
        %mul3A_202 = arith.constant 16 : i32
        %mul3A_203 = arith.muli %scan3A_179, %mul3A_202 : i32
        %add3A_204 = arith.constant 3072 : i32
        %add3A_205 = arith.addi %add3A_204, %mul3A_203 : i32
        %get3A_206 = arith.index_cast %add3A_205 : i32 to index
        %get3A_207 = tpu.vector_load %arg13[%get3A_206] {strides = array<i32>} : memref<4096xf32, #tpu.memory_space<vmem>>, vector<16xf32>,
        tpu.vector_store_idx %arg14[%add3A_183, %add3A_54], %get3A_207 : memref<1024x16xf32, #tpu.memory_space<vmem>>[vector<16xi32>, vector<16xi32>], vector<16xf32>,
        %scan3A_208 = arith.constant 3 : i32
        %scan3A_209 = arith.addi %scan3A_120, %scan3A_208 : i32
        %mul3A_210 = arith.constant 16 : i32
        %mul3A_211 = arith.muli %scan3A_209, %mul3A_210 : i32
        %add3A_212 = vector.broadcast %mul3A_211 : i32 to vector<16xi32>
        %add3A_213 = arith.addi %iota3A, %add3A_212 : vector<16xi32>
        %mul3A_214 = arith.constant 16 : i32
        %mul3A_215 = arith.muli %scan3A_209, %mul3A_214 : i32
        %add3A_216 = arith.constant 0 : i32
        %add3A_217 = arith.addi %add3A_216, %mul3A_215 : i32
        %get3A_218 = arith.index_cast %add3A_217 : i32 to index
        %get3A_219 = tpu.vector_load %arg13[%get3A_218] {strides = array<i32>} : memref<4096xf32, #tpu.memory_space<vmem>>, vector<16xf32>,
        tpu.vector_store_idx %arg14[%add3A_213, %add3A_27], %get3A_219 : memref<1024x16xf32, #tpu.memory_space<vmem>>[vector<16xi32>, vector<16xi32>], vector<16xf32>,
        %mul3A_220 = arith.constant 16 : i32
        %mul3A_221 = arith.muli %scan3A_209, %mul3A_220 : i32
        %add3A_222 = arith.constant 1024 : i32
        %add3A_223 = arith.addi %add3A_222, %mul3A_221 : i32
        %get3A_224 = arith.index_cast %add3A_223 : i32 to index
        %get3A_225 = tpu.vector_load %arg13[%get3A_224] {strides = array<i32>} : memref<4096xf32, #tpu.memory_space<vmem>>, vector<16xf32>,
        tpu.vector_store_idx %arg14[%add3A_213, %add3A_51], %get3A_225 : memref<1024x16xf32, #tpu.memory_space<vmem>>[vector<16xi32>, vector<16xi32>], vector<16xf32>,
        %mul3A_226 = arith.constant 16 : i32
        %mul3A_227 = arith.muli %scan3A_209, %mul3A_226 : i32
        %add3A_228 = arith.constant 2048 : i32
        %add3A_229 = arith.addi %add3A_228, %mul3A_227 : i32
        %get3A_230 = arith.index_cast %add3A_229 : i32 to index
        %get3A_231 = tpu.vector_load %arg13[%get3A_230] {strides = array<i32>} : memref<4096xf32, #tpu.memory_space<vmem>>, vector<16xf32>,
        tpu.vector_store_idx %arg14[%add3A_213, %add3A_30], %get3A_231 : memref<1024x16xf32, #tpu.memory_space<vmem>>[vector<16xi32>, vector<16xi32>], vector<16xf32>,
        %mul3A_232 = arith.constant 16 : i32
        %mul3A_233 = arith.muli %scan3A_209, %mul3A_232 : i32
        %add3A_234 = arith.constant 3072 : i32
        %add3A_235 = arith.addi %add3A_234, %mul3A_233 : i32
        %get3A_236 = arith.index_cast %add3A_235 : i32 to index
        %get3A_237 = tpu.vector_load %arg13[%get3A_236] {strides = array<i32>} : memref<4096xf32, #tpu.memory_space<vmem>>, vector<16xf32>,
        tpu.vector_store_idx %arg14[%add3A_213, %add3A_54], %get3A_237 : memref<1024x16xf32, #tpu.memory_space<vmem>>[vector<16xi32>, vector<16xi32>], vector<16xf32>,
      }
      %scan3A_113 = arith.constant 64 : i32
      %mul3A_114 = arith.constant 32768 : i32
      %mul3A_115 = arith.muli %add3A, %mul3A_114 : i32
      %mul3A_116 = arith.constant 1024 : i32
      %mul3A_117 = arith.muli %add3A_66, %mul3A_116 : i32
      %add3A_118 = arith.addi %mul3A_115, %mul3A_117 : i32
      %multiple_of3A_119 = tpu.assume_multiple %add3A_118, 1024 : i32
      "tpu.region"() ({
        %run_scoped3A = tpu.sem_alloc : memref<!tpu.dma_semaphore, #tpu.memory_space<semaphore_mem>>
        %dma_start3A_120 = arith.constant 0 : i32
        %dma_start3A_121 = tpu.memref_slice %arg5[%multiple_of3A_119, %dma_start3A_120] : memref<1048576x16xf32, #tpu.memory_space<hbm>> -> memref<1024x16xf32, #tpu.memory_space<hbm>>
        %dma_start3A_122 = arith.constant 0 : i32
        %dma_start3A_123 = tpu.memref_slice %arg5[%multiple_of3A_119, %dma_start3A_122] : memref<1048576x16xf32, #tpu.memory_space<hbm>> -> memref<1024x16xf32, #tpu.memory_space<hbm>>
        tpu.enqueue_dma source(%arg14 : memref<1024x16xf32, #tpu.memory_space<vmem>>) target(%dma_start3A_123 : memref<1024x16xf32, #tpu.memory_space<hbm>>) target_semaphore(%run_scoped3A : memref<!tpu.dma_semaphore, #tpu.memory_space<semaphore_mem>>)
        %dma_wait3A_124 = arith.constant 0 : i32
        %dma_wait3A_125 = tpu.memref_slice %arg5[%multiple_of3A_119, %dma_wait3A_124] : memref<1048576x16xf32, #tpu.memory_space<hbm>> -> memref<1024x16xf32, #tpu.memory_space<hbm>>
        %dma_wait3A_126 = arith.constant 0 : i32
        %dma_wait3A_127 = tpu.memref_slice %arg5[%multiple_of3A_119, %dma_wait3A_126] : memref<1048576x16xf32, #tpu.memory_space<hbm>> -> memref<1024x16xf32, #tpu.memory_space<hbm>>
        tpu.wait_dma2 semaphore(%run_scoped3A : memref<!tpu.dma_semaphore, #tpu.memory_space<semaphore_mem>>) src(%arg14 : memref<1024x16xf32, #tpu.memory_space<vmem>>) dst(%dma_wait3A_127 : memref<1024x16xf32, #tpu.memory_space<hbm>>)
        tpu.yield
      }) : () -> ()
    }
    %scan3A_61 = arith.constant 16 : i32
    return
  }
}

module attributes {stable_mosaic.version = 14 : i64} {
  func.func @_extract_body(%arg0: i32, %arg1: memref<8192x2xf32, #tpu.memory_space<vmem>>, %arg2: memref<8192xf32, #tpu.memory_space<vmem>>, %arg3: memref<8192xf32, #tpu.memory_space<vmem>>) attributes {dimension_semantics = [#tpu.dimension_semantics<arbitrary>], iteration_bounds = array<i64: 128>, scalar_prefetch = 0 : i64, scratch_operands = 0 : i64, tpu.core_type = #tpu.core_type<tc>, window_params = [{transform_indices = @transform_0, window_bounds = array<i64: 8192, 2>}, {transform_indices = @transform_1, window_bounds = array<i64: 8192>}, {transform_indices = @transform_2, window_bounds = array<i64: 8192>}]} {
    %get3A = arith.constant 0 : index
    %get3A_0 = arith.constant 0 : index
    %get3A_1 = vector.load %arg1[%get3A, %get3A_0] : memref<8192x2xf32, #tpu.memory_space<vmem>>, vector<8192x2xf32>
    %slice3A = vector.extract_strided_slice %get3A_1 {offsets = [0, 0], sizes = [8192, 1], strides = [1, 1]} : vector<8192x2xf32> to vector<8192x1xf32>
    %squeeze3A = vector.shape_cast %slice3A : vector<8192x1xf32> to vector<8192xf32>
    %swap3A = arith.constant 0 : index
    %swap3A_2 = vector.load %arg2[%swap3A] : memref<8192xf32, #tpu.memory_space<vmem>>, vector<8192xf32>
    tpu.vector_store %arg2[%swap3A], %squeeze3A {strides = array<i32>} : memref<8192xf32, #tpu.memory_space<vmem>>, vector<8192xf32>,
    %slice3A_3 = vector.extract_strided_slice %get3A_1 {offsets = [0, 1], sizes = [8192, 1], strides = [1, 1]} : vector<8192x2xf32> to vector<8192x1xf32>
    %squeeze3A_4 = vector.shape_cast %slice3A_3 : vector<8192x1xf32> to vector<8192xf32>
    %swap3A_5 = arith.constant 0 : index
    %swap3A_6 = vector.load %arg3[%swap3A_5] : memref<8192xf32, #tpu.memory_space<vmem>>, vector<8192xf32>
    tpu.vector_store %arg3[%swap3A_5], %squeeze3A_4 {strides = array<i32>} : memref<8192xf32, #tpu.memory_space<vmem>>, vector<8192xf32>,
    return
  }
  func.func @transform_0(%arg0: i32) -> (i32, i32) {
    %c0_i32 = arith.constant 0 : i32
    %c0_i32_0 = arith.constant 0 : i32
    return %arg0, %c0_i32 : i32, i32
  }
  func.func @transform_1(%arg0: i32) -> i32 {
    %c0_i32 = arith.constant 0 : i32
    return %arg0 : i32
  }
  func.func @transform_2(%arg0: i32) -> i32 {
    %c0_i32 = arith.constant 0 : i32
    return %arg0 : i32
  }
}

</mosaic_0001>

<sc_bundles>
// kernel: kernel.4.cloned.1.call-start
scs
__scs_entry_jumppad:
0x0: {  	(pc) =	sbr.rel $0x88, $3  }
0x1: {  	(tag) =	ssettag $0x0;
	lr =	simm.s32 $0x1  }
0x2: {  	[smem:$0x3F98] =	sst lr;
	_ =	strace $0xD0000000  }
0x3: {  	_ = 	snop  }
0x4: {  	_ = 	snop  }
0x5: {  	_ = 	snop  }
0x6: {  	_ = 	snop  }
0x7: {  	_ = 	snop  }
__scs_overlays_trampoline_lowered:
0x8: {  	[smem:$0x3FA7] =	sst s0  }
0x9: {  	[smem:$0x3FA8] =	sst s1  }
0xa: {  	[smem:$0x3FA9] =	sst s2  }
0xb: {  	[smem:$0x3FAA] =	sst s3  }
0xc: {  	[smem:$0x3FAB] =	sst s4  }
0xd: {  	[smem:$0x3FAC] =	sst s5  }
0xe: {  	[smem:$0x3FAD] =	sst s6  }
0xf: {  	[smem:$0x3FAE] =	sst s7  }
0x10: {  	[smem:$0x3FAF] =	sst s8  }
0x11: {  	[smem:$0x3FB0] =	sst s9;
	s0 =	simm.s32 @!p0 $0x0  }
0x12: {  	s1 =	sld [smem:$0x3F96];
	s0 =	simm.s32 @p0 $0x1  }
0x13: {  	[smem:$0x3FB1] =	sst s0;
	s0 =	simm.s32 @!p1 $0x0  }
0x14: {  	s2 =	sld [smem:$0x3F95];
	s0 =	simm.s32 @p1 $0x1  }
0x15: {  	[smem:$0x3FB2] =	sst s0;
	s0 =	simm.s32 @!p2 $0x0  }
0x16: {  	s3 =	sld [smem:$0x3FDB];
	s0 =	simm.s32 @p2 $0x1  }
0x17: {  	s4 =	simm.s32 $0x1BF5;
	[smem:$0x3FB4] =	sst s0  }
0x18: {  	s0 =	sld [smem:$0x3F97];
	_ =	swait.ge [sflag:s4], $0x0  }
0x19: {  	s7 =	sld [smem:$0x3F98]  }
0x1a: {  	s8 =	sadd.s32 $0xFFFFE003, lr  }
0x1b: {  	s9 =	sadd.s32 $0xFFFFFEF7, lr;
	s5 =	simm.s32 $0xFFFFFFFF;
	p2 =	slt.u32 s8, $0xFFFFF086  }
0x1c: {  	p1 =	slt.u32 s9, $0xF7A;
	s5 =	simm.s32 @!p2 $0x0  }
0x1d: {  	s5 =	simm.s32 @p1 $0x1;
	p0 =	seq.s32 s7, s2  }
0x1e: {  	s7 =	smul.u32 @!p0 $0xF7A, s2;
	p2 =	seq.s32 @!p0 s5, $0x0  }
0x1f: {  	s9 =	smul.u32 $0xF7A, s1;
	s8 =	simm.s32 @!p0 $0x1BF5;
	p2 =	por !p2, p0  }
0x20: {  	[sflag:s8] =	ssyncset.s32 @!p0 $0xFFFFF086;
	s6 =	sadd.s32 @!p0 s3, s7;
	s7 =	simm.s32 @!p0 $0x108  }
0x21: {  	s3 =	sadd.s32 s3, s9;
	s6 =	sadd.s32 @!p0 $0x88, s6;
	s7 =	simm.s32 @p2 $0x1082  }
0x22: {  	[simem:s7], [sflag:s8] =	dma.local @!p0 [hbm:s6], $0xF7A  }
0x23: {  	s9 =	sor.u32 $0xD0000000, s2;
	s6 =	simm.s32 $0x108;
	_ =	swait.ge @!p0 [sflag:s8], $0x0  }
0x24: {  	s3 =	sadd.s32 $0x88, s3;
	s6 =	simm.s32 @!p1 $0x1082;
	[sflag:s4] =	ssyncset.s32 $0xFFFFF086  }
0x25: {  	[simem:s6], [sflag:s4] =	dma.local [hbm:s3], $0xF7A  }
0x26: {  	[smem:$0x3F98] =	sst s1;
	(tag) =	ssettag s2;
	_ =	strace s9  }
0x27: {  	s1 =	sld [smem:$0x3FA8]  }
0x28: {  	s2 =	sld [smem:$0x3FA9]  }
0x29: {  	s4 =	sld [smem:$0x3FAB]  }
0x2a: {  	p0 =	seq.s32 s5, $0x0;
	s5 =	sld [smem:$0x3FAC]  }
0x2b: {  	s6 =	sld [smem:$0x3FAD]  }
0x2c: {  	s7 =	sld [smem:$0x3FAE]  }
0x2d: {  	s3 =	simm.s32 $0x108;
	s8 =	sld [smem:$0x3FAF]  }
0x2e: {  	s3 =	simm.s32 @!p0 $0x1082;
	s9 =	sld [smem:$0x3FB0]  }
0x2f: {  	lr =	sadd.s32 s0, s3;
	s0 =	sld [smem:$0x3FA7]  }
0x30: {  	s3 =	sld [smem:$0x3FAA]  }
0x31: {  	[smem:$0x3FB3] =	sst s10  }
0x32: {  	s10 =	sld [smem:$0x3FB1];
	_ =	sdelay $0x3  }
0x33: {  	p0 =	seq.s32 s10, $0x1;
	s10 =	sld [smem:$0x3FB3];
	_ =	sdelay $0x3  }
0x34: {  	[smem:$0x3FB3] =	sst s10  }
0x35: {  	s10 =	sld [smem:$0x3FB2];
	_ =	sdelay $0x3  }
0x36: {  	p1 =	seq.s32 s10, $0x1;
	s10 =	sld [smem:$0x3FB3];
	_ =	sdelay $0x3  }
0x37: {  	[smem:$0x3FB3] =	sst s10  }
0x38: {  	s10 =	sld [smem:$0x3FB4]  }
0x39: {  	_ = 	snop;
	(pc) =	sbr.ind lr, $3  }
0x3a: {  	_ = 	snop  }
0x3b: {  	_ = 	snop  }
0x3c: {  	p2 =	seq.s32 s10, $0x1;
	s10 =	sld [smem:$0x3FB3]  }
0x3d: {  	_ =	shalt  }
0x3e: {  	_ =	shalt  }
0x3f: {  	_ =	shalt  }
0x40: {  	_ =	shalt  }
0x41: {  	_ =	shalt  }
0x42: {  	_ =	shalt  }
0x43: {  	_ =	shalt  }
0x44: {  	_ =	shalt  }
0x45: {  	_ =	shalt  }
0x46: {  	_ =	shalt  }
0x47: {  	_ =	shalt  }
0x48: {  	_ =	shalt  }
0x49: {  	_ =	shalt  }
0x4a: {  	_ =	shalt  }
0x4b: {  	_ =	shalt  }
0x4c: {  	_ =	shalt  }
0x4d: {  	_ =	shalt  }
0x4e: {  	_ =	shalt  }
0x4f: {  	_ =	shalt  }
0x50: {  	_ =	shalt  }
0x51: {  	_ =	shalt  }
0x52: {  	_ =	shalt  }
0x53: {  	_ =	shalt  }
0x54: {  	_ =	shalt  }
0x55: {  	_ =	shalt  }
0x56: {  	_ =	shalt  }
0x57: {  	_ =	shalt  }
0x58: {  	_ =	shalt  }
0x59: {  	_ =	shalt  }
0x5a: {  	_ =	shalt  }
0x5b: {  	_ =	shalt  }
0x5c: {  	_ =	shalt  }
0x5d: {  	_ =	shalt  }
0x5e: {  	_ =	shalt  }
0x5f: {  	_ =	shalt  }
0x60: {  	_ =	shalt  }
0x61: {  	_ =	shalt  }
0x62: {  	_ =	shalt  }
0x63: {  	_ =	shalt  }
0x64: {  	_ =	shalt  }
0x65: {  	_ =	shalt  }
0x66: {  	_ =	shalt  }
0x67: {  	_ =	shalt  }
0x68: {  	_ =	shalt  }
0x69: {  	_ =	shalt  }
0x6a: {  	_ =	shalt  }
0x6b: {  	_ =	shalt  }
0x6c: {  	_ =	shalt  }
0x6d: {  	_ =	shalt  }
0x6e: {  	_ =	shalt  }
0x6f: {  	_ =	shalt  }
0x70: {  	_ =	shalt  }
0x71: {  	_ =	shalt  }
0x72: {  	_ =	shalt  }
0x73: {  	_ =	shalt  }
0x74: {  	_ =	shalt  }
0x75: {  	_ =	shalt  }
0x76: {  	_ =	shalt  }
0x77: {  	_ =	shalt  }
0x78: {  	_ =	shalt  }
0x79: {  	_ =	shalt  }
0x7a: {  	_ =	shalt  }
0x7b: {  	_ =	shalt  }
0x7c: {  	_ =	shalt  }
0x7d: {  	_ =	shalt  }
0x7e: {  	_ =	shalt  }
0x7f: {  	_ =	shalt  }
0x80: {  	_ =	shalt  }
0x81: {  	_ =	shalt  }
0x82: {  	_ =	shalt  }
0x83: {  	_ =	shalt  }
0x84: {  	_ =	shalt  }
0x85: {  	_ =	shalt  }
0x86: {  	_ =	shalt  }
0x87: {  	_ =	shalt  }
.Lfunc_end0:
.L_simem_size_0:
called_computation.1_lowered:
.L_overlay_start_0:
0x88: {  	s2 =	sld [smem:$0x3FD9]  }
0x89: {  	s3 =	sld [smem:$0x3FFE];
	_ =	sdelay $0x1  }
0x8a: {  	s1 =	srdreg.scid  }
0x8b: {  	s0 =	sand.u32 $0x1, s1  }
0x8c: {  	s17 =	sshll.u32 s0, $0xA;
	s2 =	sadd.s32 s3, s2  }
0x8d: {  	s2 =	sadd.s32 s2, s17  }
0x8e: {  	[smem:$0x3FBF] =	sst s2  }
0x8f: {  	_ = 	snop  }
0x90: {  	s2 =	sld [smem:$0x3FD0];
	(tm) =	ssettm $0x1  }
0x91: {  	s18 =	sld [smem:$0x3FFB];
	_ =	sdelay $0x3  }
0x92: {  	_ =	strace s18  }
0x93: {  	s3 =	sld [smem:$0x3FFC];
	_ =	sdelay $0x3  }
0x94: {  	_ =	strace s3  }
0x95: {  	s3 =	sld [smem:$0x3FFD];
	_ =	sdelay $0x3  }
0x96: {  	_ =	strace s3  }
0x97: {  	_ =	strace $0x8FFFFFFF  }
0x98: {  	s19 =	sld [smem:$0x3FDB];
	_ =	sdelay $0x1  }
0x99: {  	s4 =	simm.s32 $_scs_section_size  }
0x9a: {  	s5 =	simm.s32 $_size__tile_overlayer_lowered;
	s6 =	simm.s32 $_tile_overlayer_lowered  }
0x9b: {  	s22 =	simm.s32 $0x1BFF;
	s21 =	sshll.u32 s6, $0x1;
	s3 =	sadd.s32 s4, s19  }
0x9c: {  	s7 =	simm.s32 $0x0;
	s20 =	sshll.u32 s5, $0x1;
	s5 =	sadd.s32 s21, s3  }
0x9d: {  	[timem:s7], [sflag:s22] =	dma.local [hbm:s5], s20  }
0x9e: {  	_ =	swait.ge [sflag:s22], s20  }
0x9f: {  	s4 =	ssub.s32 $0x0, s20;
	[sflag:s22] =	ssyncset.done $0x0  }
0xa0: {  	[sflag:s22] =	ssyncadd.s32 s4;
	_ =	sdelay $0x1  }
0xa1: {  	s23 =	simm.s32 $0x1B8B  }
0xa2: {  	_ =	swait.ge [sflag:s23], $0x1  }
0xa3: {  	[sflag:s23] =	ssyncset.done $0x0  }
0xa4: {  	s25 =	simm.s32 $0x1B8E;
	s24 =	sld [smem:$0x3FFE];
	[sflag:s23] =	ssyncadd.s32 $0xFFFFFFFF  }
0xa5: {  	s26 =	simm.s32 $execute0_lowered;
	[smem:$0x3FD2] =	sst s25  }
0xa6: {  	s5 =	sshll.u32 s26, $0x1;
	_ =	strace $0x80000046;
	[dreg:$0x1] =	wrdreg $0xFFFFFFFF  }
0xa7: {  	s28 =	simm.s32 $_size_execute0_lowered;
	s3 =	sadd.s32 s3, s5;
	[dreg:$0x0] =	wrdreg $0x0  }
0xa8: {  	s5 =	sshll.u32 s28, $0x1;
	[dreg:$0x2] =	wrdreg s3  }
0xa9: {  	[dreg:$0x3] =	wrdreg s5  }
0xaa: {  	[dreg:$0x4] =	wrdreg $0xC0  }
0xab: {  	_ =	task [dreg:s7], $0x5FFFF  }
0xac: {  	[dreg:$0x1] =	wrdreg $0xFFFFFFFF  }
0xad: {  	[dreg:$0x0] =	wrdreg $0x60  }
0xae: {  	[dreg:$0x2] =	wrdreg s24  }
0xaf: {  	[dreg:$0x3] =	wrdreg s2  }
0xb0: {  	[dreg:$0x4] =	wrdreg $0x183E00  }
0xb1: {  	[dreg:$0x5] =	wrdreg $0x9  }
0xb2: {  	_ =	task.clear_ibuf [dreg:s7], $0x6FFFF;
	_ =	strace $0x90000046  }
0xb3: {  	s29 =	simm.s32 $0x9;
	_ =	strace $0x80000048  }
0xb4: {  	_ =	swait.ge [sflag:s29], $0x1  }
0xb5: {  	[sflag:s29] =	ssyncadd.s32 $0xFFFFFFFF  }
0xb6: {  	_ =	strace $0x90000048  }
0xb7: {  	_ =	sfence  }
0xb8: {  	s30 =	sld [smem:$0x0];
	_ =	sdelay $0x2  }
0xb9: {  	s31 =	sshll.u32 s1, $0xD;
	s1 =	sshrl.u32 s1, $0x2  }
0xba: {  	s3 =	sand.u32 $0x4000, s31;
	s1 =	sadd.s32 s1, s30  }
0xbb: {  	s0 =	sor.u32 s3, s0;
	s1 =	sshll.u32 s1, $0x11  }
0xbc: {  	s0 =	sor.u32 s1, s0  }
0xbd: {  	s0 =	sadd.s32 $0x8F2B, s0  }
0xbe: {  	[sflag:s0] =	ssyncadd.remote.s32 $0x1  }
0xbf: {  	_ =	sfence.sel $0xFFFF  }
0xc0: {  	[dreg:$0x0] =	wrdreg $0xFFFFFFFF;
	(pc) =	sbr.abs _section_cstart, $3  }
0xc1: {  	[dreg:$0x1] =	wrdreg $0xFFFFFFFF  }
0xc2: {  	_ =	task.clear_ibuf [dreg:s7], $0x2FFFF;
	_ =	strace $0x9FFFFFFF  }
0xc3: {  	(tm) =	ssettm $0x7FFFFFFF  }
tec
execute0_lowered:
.L_overlay_start_1:
0x0: {  	(tag) =	ssettag $0x1  }
0x1: {  	s0 =	rddreg [dreg:$0x0]  }
0x2: {  	s1 =	rddreg [dreg:$0x1]  }
0x3: {  	s2 =	rddreg [dreg:$0x2];
	s3 =	simm.s32 $0x0;
	s4 =	srdreg.scid  }
0x4: {  	s9 =	stileid.u32;
	s14 =	simm.s32 $0x3;
	s20 =	simm.s32 $0xBBE0  }
0x5: {  	s21 =	simm.s32 $0xBFE0;
	s28 =	simm.s32 $0x123E0;
	s29 =	simm.s32 $0x133E0  }
0x6: {  	s30 =	simm.s32 $0x1;
	s31 =	simm.s32 $0x2;
	[smem:$0x7FF] =	sst s3  }
0x7: {  	s6 =	sand.u32 $0x1, s4;
	s4 =	sadd.s32 $0x8400, s0;
	s5 =	sadd.s32 $0x28400, s0  }
0x8: {  	s8 =	sadd.s32 $0x48400, s0;
	s23 =	sadd.s32 $0x4BE30, s0;
	s24 =	sadd.s32 $0x48FBE, s0  }
0x9: {  	s10 =	sadd.s32 $0x4C9EE, s0;
	_ =	strace $0x80000047;
	[dreg:$0x4] =	wrdreg s8  }
0xa: {  	s11 =	sadd.s32 $0x49E30, s0;
	s0 =	sadd.s32 $0x4D860, s0;
	[dreg:$0x5] =	wrdreg s23  }
0xb: {  	s25 =	sshll.u32 s9, $0x10;
	p0 =	sne.s32 s9, $0x0;
	[dreg:$0x6] =	wrdreg s24  }
0xc: {  	s7 =	ssub.s32 $0x2, s6;
	s8 =	sadd.s32 $0x7390, s2;
	[dreg:$0x7] =	wrdreg s10  }
0xd: {  	s10 =	sadd.s32 $0xE720, s2;
	[dreg:$0x8] =	wrdreg s11;
	s11 =	sadd.s32 $0x1E720, s2  }
0xe: {  	[dreg:$0x9] =	wrdreg s0;
	s6 =	sshll.u32 s6, $0xF;
	s0 =	sshrl.u32 @!p0 s2, $0x3  }
0xf: {  	s23 =	simm.s32 $0x1000;
	s24 =	simm.s32 $0xC3E0;
	s22 =	sshrl.u32 s7, $0x1  }
0x10: {  	s12 =	sor.u32 s6, s25;
	[dreg:$0xb] =	wrdreg s0;
	s17 =	sshrl.u32 @!p0 s8, $0x3  }
0x11: {  	s18 =	sshrl.u32 @!p0 s10, $0x3;
	s19 =	sshrl.u32 @!p0 s11, $0x3;
	s7 =	ssub.s32 s7, s22  }
0x12: {  	v0 =	vlaneseq.u32;
	s25 =	simm.s32 $0xD3E0;
	s0 =	simm.s32 $0x0;
	s26 =	smax.u32 s7, $0x1  }
0x13: {  	v0 =	vmul.u32 $0x10, v0;
	s22 =	simm.s32 $0xE3E0;
	[dreg:$0xa] =	wrdreg s26;
	s26 =	simm.s32 $0x143E0  }
.LBB2_1:
0x14: {  	s6 =	rddreg [dreg:$0x4]  }
0x15: {  	[tilespmem:s3], [sflag:$0x3] =	stream.linear.gather [hbm4b:s6+s3], $0x5DF0, $0x38;
	[tilespmem:$0x1B258] =	vst v63  }
0x16: {  	_ =	swait.ge [sflag:s14], $0x5DF0  }
0x17: {  	[sflag:s14] =	ssyncset.done $0x0  }
0x18: {  	s7 =	simm.s32 $0x5DF0;
	s16 =	rddreg [dreg:$0x5];
	[sflag:s14] =	ssyncadd.s32 $0xFFFFA210  }
0x19: {  	[tilespmem:s7], [sflag:$0x3] =	stream.linear.gather [hbm4b:s16+s3], $0x5DF0, $0x38;
	[tilespmem:$0x1B258] =	vst v63  }
0x1a: {  	_ =	swait.ge [sflag:s14], $0x5DF0  }
0x1b: {  	[sflag:s14] =	ssyncset.done $0x0;
	s7 =	rddreg [dreg:$0x6]  }
0x1c: {  	s6 =	simm.s32 @!p0 $0x1C03;
	s8 =	rddreg [dreg:$0xb];
	[sflag:s14] =	ssyncadd.s32 $0xFFFFA210  }
0x1d: {  	[spmem:s8], [sflag:s6] =	dma.local @!p0 [hbm:s7], $0xE72  }
0x1e: {  	s7 =	simm.s32 @!p0 $0x3  }
0x1f: {  	_ =	swait.ge @!p0 [sflag:s7], $0xE72  }
0x20: {  	[sflag:s7] =	ssyncset.done @!p0 $0x0  }
0x21: {  	s8 =	rddreg [dreg:$0x7];
	[sflag:s7] =	ssyncadd.s32 @!p0 $0xFFFFF18E  }
0x22: {  	[spmem:s17], [sflag:s6] =	dma.local @!p0 [hbm:s8], $0xE72  }
0x23: {  	_ =	swait.ge @!p0 [sflag:s7], $0xE72  }
0x24: {  	[sflag:s7] =	ssyncset.done @!p0 $0x0  }
0x25: {  	s8 =	rddreg [dreg:$0x8];
	[sflag:s7] =	ssyncadd.s32 @!p0 $0xFFFFF18E  }
0x26: {  	[spmem:s18], [sflag:s6] =	dma.local @!p0 [hbm:s8], $0x2000  }
0x27: {  	_ =	swait.ge @!p0 [sflag:s7], $0x2000  }
0x28: {  	[sflag:s7] =	ssyncset.done @!p0 $0x0  }
0x29: {  	s8 =	rddreg [dreg:$0x9];
	[sflag:s7] =	ssyncadd.s32 @!p0 $0xFFFFE000  }
0x2a: {  	[spmem:s19], [sflag:s6] =	dma.local @!p0 [hbm:s8], $0x2000  }
0x2b: {  	_ =	swait.ge @!p0 [sflag:s7], $0x2000  }
0x2c: {  	[sflag:s7] =	ssyncset.done @!p0 $0x0  }
0x2d: {  	[sflag:s7] =	ssyncadd.s32 @!p0 $0xFFFFE000  }
0x2e: {  	s15 =	simm.s32 $0x0;
	[bflag:$0x0] =	sbarrier.arrive $0xFFFF  }
.LBB2_2:
0x2f: {  	s6 =	sshll.u32 s15, $0xB  }
0x30: {  	s6 =	sor.u32 s12, s6  }
0x31: {  	s8 =	sshrl.u32 s6, $0x3  }
0x32: {  	s7 =	simm.s32 $0x0;
	s9 =	sadd.s32 s4, s8  }
0x33: {  	[tilespmem:s20], [sflag:$0x3] =	stream.linear.gather [hbm4b:s9+s7], $0x400, $0x38;
	[tilespmem:$0x1B258] =	vst v63  }
0x34: {  	_ =	swait.ge [sflag:s14], $0x400  }
0x35: {  	[sflag:s14] =	ssyncset.done $0x0  }
0x36: {  	s8 =	sadd.s32 s5, s8;
	[sflag:s14] =	ssyncadd.s32 $0xFFFFFC00  }
0x37: {  	[tilespmem:s21], [sflag:$0x3] =	stream.linear.gather [hbm4b:s8+s7], $0x400, $0x38;
	[tilespmem:$0x1B258] =	vst v63  }
0x38: {  	_ =	swait.ge [sflag:s14], $0x400  }
0x39: {  	s10 =	simm.s32 $0xBFF0;
	s11 =	simm.s32 $0xBBF0;
	[sflag:s14] =	ssyncset.done $0x0  }
0x3a: {  	s9 =	simm.s32 $0xCBE0;
	s8 =	simm.s32 $0xFFFFFFFE;
	[sflag:s14] =	ssyncadd.s32 $0xFFFFFC00  }
.LBB2_3:
0x3b: {  	v1 =	vld [tilespmem:s10+$0xFFFFFFF0]  }
0x3c: {  	v2 =	vld [tilespmem:s11+$0xFFFFFFF0];
	_ =	sdelay $0x3  }
0x3d: {  	v3 =	vmul.f32 $1.500000000e+01, v1  }
0x3e: {  	v4 =	vmul.f32 $1.500000000e+01, v2  }
0x3f: {  	v3 =	vtrunc.f32 v3  }
0x40: {  	v4 =	vtrunc.f32 v4;
	v3 =	vcvt.f32.s32 v3  }
0x41: {  	v4 =	vcvt.f32.s32 v4  }
0x42: {  	v3 =	vshll.u32 v3, $0x4  }
0x43: {  	v3 =	vadd.s32 v4, v3;
	_ =	sdelay $0x1  }
0x44: {  	v5 =	vmov s7  }
0x45: {  	v5 =	vshll.u32 v5, $0x4  }
0x46: {  	v7 =	vmul.f32 $2.200000000e+01, v1;
	v4 =	vand.u32 $0x7, v4;
	v6 =	vand.u32 $0xFFFFFFF8, v3  }
0x47: {  	v5 =	vor.u32 v0, v5;
	v4 =	vor.u32 v4, v6;
	v3 =	vld.idx.msk [tilespmem:v3+s3+$0x0], $0xffff  }
0x48: {  	v13 =	vmul.f32 $2.200000000e+01, v2;
	v7 =	vtrunc.f32 v7;
	v4 =	vadd.s32 $0x5DF0, v4  }
0x49: {  	v7 =	vcvt.f32.s32 v7  }
0x4a: {  	v6 =	vtrunc.f32 v13  }
0x4b: {  	v7 =	vmul.u32 $0x17, v7;
	v6 =	vcvt.f32.s32 v6  }
0x4c: {  	[tilespmem:v5+s22+$0x0] =	vst.idx.msk $0xffff, v3  }
0x4d: {  	v14 =	vor.u32 $0x8, v5;
	v6 =	vadd.s32 v6, v7;
	v3 =	vld.idx.msk [tilespmem:v4+s3+$0x0], $0xffff  }
0x4e: {  	v7 =	vadd.s32 $0x100, v6;
	_ =	sdelay $0x3  }
0x4f: {  	[tilespmem:v14+s22+$0x0] =	vst.idx.msk $0xffff, v3;
	v3 =	vmul.f32 $3.400000000e+01, v1  }
0x50: {  	v15 =	vor.u32 $0x1, v5;
	v4 =	vld.idx.msk [tilespmem:v7+s3+$0x0], $0xffff  }
0x51: {  	v8 =	vmul.f32 $3.400000000e+01, v2;
	v6 =	vadd.s32 $0x5EF0, v6;
	v3 =	vtrunc.f32 v3  }
0x52: {  	v3 =	vcvt.f32.s32 v3  }
0x53: {  	v8 =	vtrunc.f32 v8  }
0x54: {  	v8 =	vcvt.f32.s32 v8;
	v3 =	vmul.u32 $0x23, v3  }
0x55: {  	[tilespmem:v15+s22+$0x0] =	vst.idx.msk $0xffff, v4  }
0x56: {  	v16 =	vor.u32 $0x9, v5;
	v4 =	vld.idx.msk [tilespmem:v6+s3+$0x0], $0xffff;
	v3 =	vadd.s32 v8, v3  }
0x57: {  	v17 =	vadd.s32 $0x318, v3;
	_ =	sdelay $0x3  }
0x58: {  	v18 =	vmul.f32 $5.100000000e+01, v1;
	[tilespmem:v16+s22+$0x0] =	vst.idx.msk $0xffff, v4  }
0x59: {  	v19 =	vor.u32 $0x2, v5;
	v6 =	vld.idx.msk [tilespmem:v17+s3+$0x0], $0xffff  }
0x5a: {  	v20 =	vmul.f32 $5.100000000e+01, v2;
	v3 =	vadd.s32 $0x6108, v3;
	v4 =	vtrunc.f32 v18  }
0x5b: {  	v4 =	vcvt.f32.s32 v4  }
0x5c: {  	v8 =	vtrunc.f32 v20  }
0x5d: {  	v8 =	vcvt.f32.s32 v8;
	v4 =	vmul.u32 $0x34, v4  }
0x5e: {  	[tilespmem:v19+s22+$0x0] =	vst.idx.msk $0xffff, v6  }
0x5f: {  	v21 =	vor.u32 $0xA, v5;
	v4 =	vadd.s32 v8, v4;
	v3 =	vld.idx.msk [tilespmem:v3+s3+$0x0], $0xffff  }
0x60: {  	v22 =	vadd.s32 $0x7E8, v4;
	_ =	sdelay $0x3  }
0x61: {  	[tilespmem:v21+s22+$0x0] =	vst.idx.msk $0xffff, v3;
	v3 =	vmul.f32 $7.700000000e+01, v1  }
0x62: {  	v23 =	vor.u32 $0x3, v5;
	v6 =	vld.idx.msk [tilespmem:v22+s3+$0x0], $0xffff  }
0x63: {  	v24 =	vmul.f32 $7.700000000e+01, v2;
	v4 =	vadd.s32 $0x65D8, v4;
	v3 =	vtrunc.f32 v3  }
0x64: {  	v3 =	vcvt.f32.s32 v3  }
0x65: {  	v8 =	vtrunc.f32 v24  }
0x66: {  	v8 =	vcvt.f32.s32 v8;
	v3 =	vmul.u32 $0x4E, v3  }
0x67: {  	[tilespmem:v23+s22+$0x0] =	vst.idx.msk $0xffff, v6  }
0x68: {  	v25 =	vor.u32 $0xB, v5;
	v4 =	vld.idx.msk [tilespmem:v4+s3+$0x0], $0xffff;
	v3 =	vadd.s32 v8, v3  }
0x69: {  	v26 =	vadd.s32 $0x1278, v3;
	_ =	sdelay $0x3  }
0x6a: {  	v27 =	vmul.f32 $1.140000000e+02, v1;
	[tilespmem:v25+s22+$0x0] =	vst.idx.msk $0xffff, v4  }
0x6b: {  	v28 =	vor.u32 $0x4, v5;
	v6 =	vld.idx.msk [tilespmem:v26+s3+$0x0], $0xffff  }
0x6c: {  	v29 =	vmul.f32 $1.140000000e+02, v2;
	v3 =	vadd.s32 $0x7068, v3;
	v4 =	vtrunc.f32 v27  }
0x6d: {  	v4 =	vcvt.f32.s32 v4  }
0x6e: {  	v8 =	vtrunc.f32 v29  }
0x6f: {  	v8 =	vcvt.f32.s32 v8;
	v4 =	vmul.u32 $0x73, v4  }
0x70: {  	[tilespmem:v28+s22+$0x0] =	vst.idx.msk $0xffff, v6  }
0x71: {  	v30 =	vor.u32 $0xC, v5;
	v4 =	vadd.s32 v8, v4;
	v3 =	vld.idx.msk [tilespmem:v3+s3+$0x0], $0xffff  }
0x72: {  	v31 =	vadd.s32 $0x2A40, v4;
	_ =	sdelay $0x3  }
0x73: {  	[tilespmem:v30+s22+$0x0] =	vst.idx.msk $0xffff, v3  }
0x74: {  	v32 =	vor.u32 $0x5, v5;
	v3 =	vld.idx.msk [tilespmem:v31+s3+$0x0], $0xffff  }
0x75: {  	v4 =	vadd.s32 $0x8830, v4;
	_ =	sdelay $0x1  }
0x76: {  	v33 =	vmul.f32 $1.710000000e+02, v2  }
0x77: {  	v34 =	vmul.f32 $1.710000000e+02, v1;
	v2 =	vmul.f32 $2.550000000e+02, v2  }
0x78: {  	v1 =	vmul.f32 $2.550000000e+02, v1;
	[tilespmem:v32+s22+$0x0] =	vst.idx.msk $0xffff, v3  }
0x79: {  	v35 =	vtrunc.f32 v34;
	v2 =	vtrunc.f32 v2;
	v5 =	vor.u32 $0xD, v5;
	v4 =	vld.idx.msk [tilespmem:v4+s3+$0x0], $0xffff  }
0x7a: {  	v1 =	vtrunc.f32 v1;
	v6 =	vcvt.f32.s32 v35  }
0x7b: {  	v1 =	vcvt.f32.s32 v1;
	v3 =	vtrunc.f32 v33  }
0x7c: {  	v2 =	vcvt.f32.s32 v2;
	v6 =	vmul.u32 $0xAC, v6;
	v3 =	vcvt.f32.s32 v3  }
0x7d: {  	v1 =	vshll.u32 v1, $0x8  }
0x7e: {  	v1 =	vadd.s32 v2, v1;
	v3 =	vadd.s32 v3, v6;
	[tilespmem:v5+s22+$0x0] =	vst.idx.msk $0xffff, v4  }
0x7f: {  	v2 =	vadd.s32 $0xE720, v1;
	[tilespmem:s9+$0xFFFFF800] =	vst v3  }
0x80: {  	v1 =	vadd.s32 $0x1E720, v1;
	[tilespmem:s9+$0x0] =	vst v2  }
0x81: {  	v3 =	vadd.s32 $0x7390, v3;
	[tilespmem:s9+$0x400] =	vst v1  }
0x82: {  	[tilespmem:s9+$0xFFFFFC00] =	vst v3  }
0x83: {  	v1 =	vld [tilespmem:s10+$0x0]  }
0x84: {  	v2 =	vld [tilespmem:s11+$0x0];
	_ =	sdelay $0x3  }
0x85: {  	v3 =	vmul.f32 $1.500000000e+01, v1  }
0x86: {  	v36 =	vmul.f32 $1.500000000e+01, v2  }
0x87: {  	v3 =	vtrunc.f32 v3  }
0x88: {  	v4 =	vtrunc.f32 v36;
	v3 =	vcvt.f32.s32 v3  }
0x89: {  	v4 =	vcvt.f32.s32 v4  }
0x8a: {  	v3 =	vshll.u32 v3, $0x4  }
0x8b: {  	v3 =	vadd.s32 v4, v3  }
0x8c: {  	s13 =	sadd.s32 $0x10, s7  }
0x8d: {  	v37 =	vmov s13  }
0x8e: {  	v5 =	vshll.u32 v37, $0x4  }
0x8f: {  	v39 =	vmul.f32 $2.200000000e+01, v1;
	v4 =	vand.u32 $0x7, v4;
	v38 =	vand.u32 $0xFFFFFFF8, v3  }
0x90: {  	v5 =	vor.u32 v0, v5;
	v4 =	vor.u32 v4, v38;
	v3 =	vld.idx.msk [tilespmem:v3+s3+$0x0], $0xffff  }
0x91: {  	v40 =	vmul.f32 $2.200000000e+01, v2;
	v7 =	vtrunc.f32 v39;
	v4 =	vadd.s32 $0x5DF0, v4  }
0x92: {  	v7 =	vcvt.f32.s32 v7  }
0x93: {  	v6 =	vtrunc.f32 v40  }
0x94: {  	v6 =	vcvt.f32.s32 v6;
	v7 =	vmul.u32 $0x17, v7  }
0x95: {  	[tilespmem:v5+s22+$0x0] =	vst.idx.msk $0xffff, v3  }
0x96: {  	v41 =	vor.u32 $0x8, v5;
	v6 =	vadd.s32 v6, v7;
	v3 =	vld.idx.msk [tilespmem:v4+s3+$0x0], $0xffff  }
0x97: {  	v7 =	vadd.s32 $0x100, v6;
	_ =	sdelay $0x3  }
0x98: {  	[tilespmem:v41+s22+$0x0] =	vst.idx.msk $0xffff, v3;
	v3 =	vmul.f32 $3.400000000e+01, v1  }
0x99: {  	v42 =	vor.u32 $0x1, v5;
	v4 =	vld.idx.msk [tilespmem:v7+s3+$0x0], $0xffff  }
0x9a: {  	v43 =	vmul.f32 $3.400000000e+01, v2;
	v6 =	vadd.s32 $0x5EF0, v6;
	v3 =	vtrunc.f32 v3  }
0x9b: {  	v3 =	vcvt.f32.s32 v3  }
0x9c: {  	v8 =	vtrunc.f32 v43  }
0x9d: {  	v8 =	vcvt.f32.s32 v8;
	v3 =	vmul.u32 $0x23, v3  }
0x9e: {  	[tilespmem:v42+s22+$0x0] =	vst.idx.msk $0xffff, v4  }
0x9f: {  	v44 =	vor.u32 $0x9, v5;
	v4 =	vld.idx.msk [tilespmem:v6+s3+$0x0], $0xffff;
	v3 =	vadd.s32 v8, v3  }
0xa0: {  	v45 =	vadd.s32 $0x318, v3;
	_ =	sdelay $0x3  }
0xa1: {  	v46 =	vmul.f32 $5.100000000e+01, v1;
	[tilespmem:v44+s22+$0x0] =	vst.idx.msk $0xffff, v4  }
0xa2: {  	v47 =	vor.u32 $0x2, v5;
	v6 =	vld.idx.msk [tilespmem:v45+s3+$0x0], $0xffff  }
0xa3: {  	v48 =	vmul.f32 $5.100000000e+01, v2;
	v3 =	vadd.s32 $0x6108, v3;
	v4 =	vtrunc.f32 v46  }
0xa4: {  	v4 =	vcvt.f32.s32 v4  }
0xa5: {  	v8 =	vtrunc.f32 v48  }
0xa6: {  	v8 =	vcvt.f32.s32 v8;
	v4 =	vmul.u32 $0x34, v4  }
0xa7: {  	[tilespmem:v47+s22+$0x0] =	vst.idx.msk $0xffff, v6  }
0xa8: {  	v49 =	vor.u32 $0xA, v5;
	v4 =	vadd.s32 v8, v4;
	v3 =	vld.idx.msk [tilespmem:v3+s3+$0x0], $0xffff  }
0xa9: {  	v50 =	vadd.s32 $0x7E8, v4;
	_ =	sdelay $0x3  }
0xaa: {  	[tilespmem:v49+s22+$0x0] =	vst.idx.msk $0xffff, v3;
	v3 =	vmul.f32 $7.700000000e+01, v1  }
0xab: {  	v51 =	vor.u32 $0x3, v5;
	v6 =	vld.idx.msk [tilespmem:v50+s3+$0x0], $0xffff  }
0xac: {  	v52 =	vmul.f32 $7.700000000e+01, v2;
	v4 =	vadd.s32 $0x65D8, v4;
	v3 =	vtrunc.f32 v3  }
0xad: {  	v3 =	vcvt.f32.s32 v3  }
0xae: {  	v8 =	vtrunc.f32 v52  }
0xaf: {  	v8 =	vcvt.f32.s32 v8;
	v3 =	vmul.u32 $0x4E, v3  }
0xb0: {  	[tilespmem:v51+s22+$0x0] =	vst.idx.msk $0xffff, v6  }
0xb1: {  	v53 =	vor.u32 $0xB, v5;
	v4 =	vld.idx.msk [tilespmem:v4+s3+$0x0], $0xffff;
	v3 =	vadd.s32 v8, v3  }
0xb2: {  	v54 =	vadd.s32 $0x1278, v3;
	_ =	sdelay $0x3  }
0xb3: {  	v55 =	vmul.f32 $1.140000000e+02, v1;
	[tilespmem:v53+s22+$0x0] =	vst.idx.msk $0xffff, v4  }
0xb4: {  	v56 =	vor.u32 $0x4, v5;
	v6 =	vld.idx.msk [tilespmem:v54+s3+$0x0], $0xffff  }
0xb5: {  	v57 =	vmul.f32 $1.140000000e+02, v2;
	v3 =	vadd.s32 $0x7068, v3;
	v4 =	vtrunc.f32 v55  }
0xb6: {  	v4 =	vcvt.f32.s32 v4  }
0xb7: {  	v8 =	vtrunc.f32 v57  }
0xb8: {  	v8 =	vcvt.f32.s32 v8;
	v4 =	vmul.u32 $0x73, v4  }
0xb9: {  	[tilespmem:v56+s22+$0x0] =	vst.idx.msk $0xffff, v6  }
0xba: {  	v58 =	vor.u32 $0xC, v5;
	v4 =	vadd.s32 v8, v4;
	v3 =	vld.idx.msk [tilespmem:v3+s3+$0x0], $0xffff  }
0xbb: {  	v59 =	vadd.s32 $0x2A40, v4;
	_ =	sdelay $0x3  }
0xbc: {  	[tilespmem:v58+s22+$0x0] =	vst.idx.msk $0xffff, v3  }
0xbd: {  	v60 =	vor.u32 $0x5, v5;
	v3 =	vld.idx.msk [tilespmem:v59+s3+$0x0], $0xffff  }
0xbe: {  	v4 =	vadd.s32 $0x8830, v4;
	_ =	sdelay $0x1  }
0xbf: {  	v61 =	vmul.f32 $1.710000000e+02, v2  }
0xc0: {  	v62 =	vmul.f32 $1.710000000e+02, v1;
	v2 =	vmul.f32 $2.550000000e+02, v2  }
0xc1: {  	v1 =	vmul.f32 $2.550000000e+02, v1;
	[tilespmem:v60+s22+$0x0] =	vst.idx.msk $0xffff, v3  }
0xc2: {  	v63 =	vtrunc.f32 v62;
	v2 =	vtrunc.f32 v2;
	v5 =	vor.u32 $0xD, v5;
	v4 =	vld.idx.msk [tilespmem:v4+s3+$0x0], $0xffff  }
0xc3: {  	v1 =	vtrunc.f32 v1;
	v6 =	vcvt.f32.s32 v63  }
0xc4: {  	v1 =	vcvt.f32.s32 v1;
	v3 =	vtrunc.f32 v61  }
0xc5: {  	s8 =	sadd.s32 $0x2, s8;
	v2 =	vcvt.f32.s32 v2;
	v6 =	vmul.u32 $0xAC, v6;
	v3 =	vcvt.f32.s32 v3  }
0xc6: {  	p1 =	slt.u32 s8, $0x3E;
	v1 =	vshll.u32 v1, $0x8  }
.Ltmp0:
0xc7: {  	v1 =	vadd.s32 v2, v1;
	v3 =	vadd.s32 v3, v6;
	[tilespmem:v5+s22+$0x0] =	vst.idx.msk $0xffff, v4;
	(pc) =	sbr.rel @p1 .LBB2_3-.Ltmp0, $4  }
0xc8: {  	v2 =	vadd.s32 $0xE720, v1;
	[tilespmem:s9+$0xFFFFF810] =	vst v3  }
0xc9: {  	v1 =	vadd.s32 $0x1E720, v1;
	[tilespmem:s9+$0x10] =	vst v2  }
0xca: {  	s7 =	sadd.s32 $0x20, s7;
	v3 =	vadd.s32 $0x7390, v3;
	[tilespmem:s9+$0x410] =	vst v1  }
0xcb: {  	s10 =	sadd.s32 $0x20, s10;
	s11 =	sadd.s32 $0x20, s11;
	[tilespmem:s9+$0xFFFFFC10] =	vst v3;
	s9 =	sadd.s32 $0x20, s9  }
0xcc: {  	[tilespmem:s25], [sflag:$0x1] =	stream.indirect.gather [spmem:s2], $0x1, s24, s23, $0xb8;
	[tilespmem:$0x1B258] =	vst v63  }
0xcd: {  	s7 =	sor.u32 $0x400, s6  }
0xce: {  	s9 =	sshrl.u32 s7, $0x3  }
0xcf: {  	s8 =	simm.s32 $0x0;
	s10 =	sadd.s32 s4, s9  }
0xd0: {  	[tilespmem:s20], [sflag:$0x3] =	stream.linear.gather [hbm4b:s10+s8], $0x400, $0x38;
	[tilespmem:$0x1B258] =	vst v63  }
0xd1: {  	_ =	swait.ge [sflag:s14], $0x400  }
0xd2: {  	[sflag:s14] =	ssyncset.done $0x0  }
0xd3: {  	s9 =	sadd.s32 s5, s9;
	[sflag:s14] =	ssyncadd.s32 $0xFFFFFC00  }
0xd4: {  	[tilespmem:s21], [sflag:$0x3] =	stream.linear.gather [hbm4b:s9+s8], $0x400, $0x38;
	[tilespmem:$0x1B258] =	vst v63  }
0xd5: {  	_ =	swait.ge [sflag:s14], $0x400  }
0xd6: {  	s11 =	simm.s32 $0xBFF0;
	s13 =	simm.s32 $0xBBF0;
	[sflag:s14] =	ssyncset.done $0x0  }
0xd7: {  	s10 =	simm.s32 $0x12BE0;
	s9 =	simm.s32 $0xFFFFFFFE;
	[sflag:s14] =	ssyncadd.s32 $0xFFFFFC00  }
.LBB2_5:
0xd8: {  	v1 =	vld [tilespmem:s11+$0xFFFFFFF0]  }
0xd9: {  	v2 =	vld [tilespmem:s13+$0xFFFFFFF0];
	_ =	sdelay $0x3  }
0xda: {  	v3 =	vmul.f32 $1.500000000e+01, v1  }
0xdb: {  	v4 =	vmul.f32 $1.500000000e+01, v2  }
0xdc: {  	v3 =	vtrunc.f32 v3  }
0xdd: {  	v4 =	vtrunc.f32 v4;
	v3 =	vcvt.f32.s32 v3  }
0xde: {  	v4 =	vcvt.f32.s32 v4  }
0xdf: {  	v3 =	vshll.u32 v3, $0x4  }
0xe0: {  	v3 =	vadd.s32 v4, v3;
	_ =	sdelay $0x1  }
0xe1: {  	v5 =	vmov s8  }
0xe2: {  	v5 =	vshll.u32 v5, $0x4  }
0xe3: {  	v7 =	vmul.f32 $2.200000000e+01, v1;
	v4 =	vand.u32 $0x7, v4;
	v6 =	vand.u32 $0xFFFFFFF8, v3  }
0xe4: {  	v5 =	vor.u32 v0, v5;
	v4 =	vor.u32 v4, v6;
	v3 =	vld.idx.msk [tilespmem:v3+s3+$0x0], $0xffff  }
0xe5: {  	v13 =	vmul.f32 $2.200000000e+01, v2;
	v7 =	vtrunc.f32 v7;
	v4 =	vadd.s32 $0x5DF0, v4  }
0xe6: {  	v7 =	vcvt.f32.s32 v7  }
0xe7: {  	v6 =	vtrunc.f32 v13  }
0xe8: {  	v7 =	vmul.u32 $0x17, v7;
	v6 =	vcvt.f32.s32 v6  }
0xe9: {  	[tilespmem:v5+s26+$0x0] =	vst.idx.msk $0xffff, v3  }
0xea: {  	v14 =	vor.u32 $0x8, v5;
	v6 =	vadd.s32 v6, v7;
	v3 =	vld.idx.msk [tilespmem:v4+s3+$0x0], $0xffff  }
0xeb: {  	v7 =	vadd.s32 $0x100, v6;
	_ =	sdelay $0x3  }
0xec: {  	[tilespmem:v14+s26+$0x0] =	vst.idx.msk $0xffff, v3;
	v3 =	vmul.f32 $3.400000000e+01, v1  }
0xed: {  	v15 =	vor.u32 $0x1, v5;
	v4 =	vld.idx.msk [tilespmem:v7+s3+$0x0], $0xffff  }
0xee: {  	v8 =	vmul.f32 $3.400000000e+01, v2;
	v6 =	vadd.s32 $0x5EF0, v6;
	v3 =	vtrunc.f32 v3  }
0xef: {  	v3 =	vcvt.f32.s32 v3  }
0xf0: {  	v8 =	vtrunc.f32 v8  }
0xf1: {  	v8 =	vcvt.f32.s32 v8;
	v3 =	vmul.u32 $0x23, v3  }
0xf2: {  	[tilespmem:v15+s26+$0x0] =	vst.idx.msk $0xffff, v4  }
0xf3: {  	v16 =	vor.u32 $0x9, v5;
	v4 =	vld.idx.msk [tilespmem:v6+s3+$0x0], $0xffff;
	v3 =	vadd.s32 v8, v3  }
0xf4: {  	v17 =	vadd.s32 $0x318, v3;
	_ =	sdelay $0x3  }
0xf5: {  	v18 =	vmul.f32 $5.100000000e+01, v1;
	[tilespmem:v16+s26+$0x0] =	vst.idx.msk $0xffff, v4  }
0xf6: {  	v19 =	vor.u32 $0x2, v5;
	v6 =	vld.idx.msk [tilespmem:v17+s3+$0x0], $0xffff  }
0xf7: {  	v20 =	vmul.f32 $5.100000000e+01, v2;
	v3 =	vadd.s32 $0x6108, v3;
	v4 =	vtrunc.f32 v18  }
0xf8: {  	v4 =	vcvt.f32.s32 v4  }
0xf9: {  	v8 =	vtrunc.f32 v20  }
0xfa: {  	v8 =	vcvt.f32.s32 v8;
	v4 =	vmul.u32 $0x34, v4  }
0xfb: {  	[tilespmem:v19+s26+$0x0] =	vst.idx.msk $0xffff, v6  }
0xfc: {  	v21 =	vor.u32 $0xA, v5;
	v4 =	vadd.s32 v8, v4;
	v3 =	vld.idx.msk [tilespmem:v3+s3+$0x0], $0xffff  }
0xfd: {  	v22 =	vadd.s32 $0x7E8, v4;
	_ =	sdelay $0x3  }
0xfe: {  	[tilespmem:v21+s26+$0x0] =	vst.idx.msk $0xffff, v3;
	v3 =	vmul.f32 $7.700000000e+01, v1  }
0xff: {  	v23 =	vor.u32 $0x3, v5;
	v6 =	vld.idx.msk [tilespmem:v22+s3+$0x0], $0xffff  }
0x100: {  	v24 =	vmul.f32 $7.700000000e+01, v2;
	v4 =	vadd.s32 $0x65D8, v4;
	v3 =	vtrunc.f32 v3  }
0x101: {  	v3 =	vcvt.f32.s32 v3  }
0x102: {  	v8 =	vtrunc.f32 v24  }
0x103: {  	v8 =	vcvt.f32.s32 v8;
	v3 =	vmul.u32 $0x4E, v3  }
0x104: {  	[tilespmem:v23+s26+$0x0] =	vst.idx.msk $0xffff, v6  }
0x105: {  	v25 =	vor.u32 $0xB, v5;
	v4 =	vld.idx.msk [tilespmem:v4+s3+$0x0], $0xffff;
	v3 =	vadd.s32 v8, v3  }
0x106: {  	v26 =	vadd.s32 $0x1278, v3;
	_ =	sdelay $0x3  }
0x107: {  	v27 =	vmul.f32 $1.140000000e+02, v1;
	[tilespmem:v25+s26+$0x0] =	vst.idx.msk $0xffff, v4  }
0x108: {  	v28 =	vor.u32 $0x4, v5;
	v6 =	vld.idx.msk [tilespmem:v26+s3+$0x0], $0xffff  }
0x109: {  	v29 =	vmul.f32 $1.140000000e+02, v2;
	v3 =	vadd.s32 $0x7068, v3;
	v4 =	vtrunc.f32 v27  }
0x10a: {  	v4 =	vcvt.f32.s32 v4  }
0x10b: {  	v8 =	vtrunc.f32 v29  }
0x10c: {  	v8 =	vcvt.f32.s32 v8;
	v4 =	vmul.u32 $0x73, v4  }
0x10d: {  	[tilespmem:v28+s26+$0x0] =	vst.idx.msk $0xffff, v6  }
0x10e: {  	v30 =	vor.u32 $0xC, v5;
	v4 =	vadd.s32 v8, v4;
	v3 =	vld.idx.msk [tilespmem:v3+s3+$0x0], $0xffff  }
0x10f: {  	v31 =	vadd.s32 $0x2A40, v4;
	_ =	sdelay $0x3  }
0x110: {  	[tilespmem:v30+s26+$0x0] =	vst.idx.msk $0xffff, v3  }
0x111: {  	v32 =	vor.u32 $0x5, v5;
	v3 =	vld.idx.msk [tilespmem:v31+s3+$0x0], $0xffff  }
0x112: {  	v4 =	vadd.s32 $0x8830, v4;
	_ =	sdelay $0x1  }
0x113: {  	v33 =	vmul.f32 $1.710000000e+02, v2  }
0x114: {  	v34 =	vmul.f32 $1.710000000e+02, v1;
	v2 =	vmul.f32 $2.550000000e+02, v2  }
0x115: {  	v1 =	vmul.f32 $2.550000000e+02, v1;
	[tilespmem:v32+s26+$0x0] =	vst.idx.msk $0xffff, v3  }
0x116: {  	v35 =	vtrunc.f32 v34;
	v2 =	vtrunc.f32 v2;
	v5 =	vor.u32 $0xD, v5;
	v4 =	vld.idx.msk [tilespmem:v4+s3+$0x0], $0xffff  }
0x117: {  	v1 =	vtrunc.f32 v1;
	v6 =	vcvt.f32.s32 v35  }
0x118: {  	v1 =	vcvt.f32.s32 v1;
	v3 =	vtrunc.f32 v33  }
0x119: {  	v2 =	vcvt.f32.s32 v2;
	v6 =	vmul.u32 $0xAC, v6;
	v3 =	vcvt.f32.s32 v3  }
0x11a: {  	v1 =	vshll.u32 v1, $0x8  }
0x11b: {  	v1 =	vadd.s32 v2, v1;
	v3 =	vadd.s32 v3, v6;
	[tilespmem:v5+s26+$0x0] =	vst.idx.msk $0xffff, v4  }
0x11c: {  	v2 =	vadd.s32 $0xE720, v1;
	[tilespmem:s10+$0xFFFFF800] =	vst v3  }
0x11d: {  	v1 =	vadd.s32 $0x1E720, v1;
	[tilespmem:s10+$0x0] =	vst v2  }
0x11e: {  	v3 =	vadd.s32 $0x7390, v3;
	[tilespmem:s10+$0x400] =	vst v1  }
0x11f: {  	[tilespmem:s10+$0xFFFFFC00] =	vst v3  }
0x120: {  	v1 =	vld [tilespmem:s11+$0x0]  }
0x121: {  	v2 =	vld [tilespmem:s13+$0x0];
	_ =	sdelay $0x3  }
0x122: {  	v3 =	vmul.f32 $1.500000000e+01, v1  }
0x123: {  	v36 =	vmul.f32 $1.500000000e+01, v2  }
0x124: {  	v3 =	vtrunc.f32 v3  }
0x125: {  	v4 =	vtrunc.f32 v36;
	v3 =	vcvt.f32.s32 v3  }
0x126: {  	v4 =	vcvt.f32.s32 v4  }
0x127: {  	v3 =	vshll.u32 v3, $0x4  }
0x128: {  	v3 =	vadd.s32 v4, v3  }
0x129: {  	s16 =	sadd.s32 $0x10, s8  }
0x12a: {  	v37 =	vmov s16  }
0x12b: {  	v5 =	vshll.u32 v37, $0x4  }
0x12c: {  	v39 =	vmul.f32 $2.200000000e+01, v1;
	v4 =	vand.u32 $0x7, v4;
	v38 =	vand.u32 $0xFFFFFFF8, v3  }
0x12d: {  	v5 =	vor.u32 v0, v5;
	v4 =	vor.u32 v4, v38;
	v3 =	vld.idx.msk [tilespmem:v3+s3+$0x0], $0xffff  }
0x12e: {  	v40 =	vmul.f32 $2.200000000e+01, v2;
	v7 =	vtrunc.f32 v39;
	v4 =	vadd.s32 $0x5DF0, v4  }
0x12f: {  	v7 =	vcvt.f32.s32 v7  }
0x130: {  	v6 =	vtrunc.f32 v40  }
0x131: {  	v6 =	vcvt.f32.s32 v6;
	v7 =	vmul.u32 $0x17, v7  }
0x132: {  	[tilespmem:v5+s26+$0x0] =	vst.idx.msk $0xffff, v3  }
0x133: {  	v41 =	vor.u32 $0x8, v5;
	v6 =	vadd.s32 v6, v7;
	v3 =	vld.idx.msk [tilespmem:v4+s3+$0x0], $0xffff  }
0x134: {  	v7 =	vadd.s32 $0x100, v6;
	_ =	sdelay $0x3  }
0x135: {  	[tilespmem:v41+s26+$0x0] =	vst.idx.msk $0xffff, v3;
	v3 =	vmul.f32 $3.400000000e+01, v1  }
0x136: {  	v42 =	vor.u32 $0x1, v5;
	v4 =	vld.idx.msk [tilespmem:v7+s3+$0x0], $0xffff  }
0x137: {  	v43 =	vmul.f32 $3.400000000e+01, v2;
	v6 =	vadd.s32 $0x5EF0, v6;
	v3 =	vtrunc.f32 v3  }
0x138: {  	v3 =	vcvt.f32.s32 v3  }
0x139: {  	v8 =	vtrunc.f32 v43  }
0x13a: {  	v8 =	vcvt.f32.s32 v8;
	v3 =	vmul.u32 $0x23, v3  }
0x13b: {  	[tilespmem:v42+s26+$0x0] =	vst.idx.msk $0xffff, v4  }
0x13c: {  	v44 =	vor.u32 $0x9, v5;
	v4 =	vld.idx.msk [tilespmem:v6+s3+$0x0], $0xffff;
	v3 =	vadd.s32 v8, v3  }
0x13d: {  	v45 =	vadd.s32 $0x318, v3;
	_ =	sdelay $0x3  }
0x13e: {  	v46 =	vmul.f32 $5.100000000e+01, v1;
	[tilespmem:v44+s26+$0x0] =	vst.idx.msk $0xffff, v4  }
0x13f: {  	v47 =	vor.u32 $0x2, v5;
	v6 =	vld.idx.msk [tilespmem:v45+s3+$0x0], $0xffff  }
0x140: {  	v48 =	vmul.f32 $5.100000000e+01, v2;
	v3 =	vadd.s32 $0x6108, v3;
	v4 =	vtrunc.f32 v46  }
0x141: {  	v4 =	vcvt.f32.s32 v4  }
0x142: {  	v8 =	vtrunc.f32 v48  }
0x143: {  	v8 =	vcvt.f32.s32 v8;
	v4 =	vmul.u32 $0x34, v4  }
0x144: {  	[tilespmem:v47+s26+$0x0] =	vst.idx.msk $0xffff, v6  }
0x145: {  	v49 =	vor.u32 $0xA, v5;
	v4 =	vadd.s32 v8, v4;
	v3 =	vld.idx.msk [tilespmem:v3+s3+$0x0], $0xffff  }
0x146: {  	v50 =	vadd.s32 $0x7E8, v4;
	_ =	sdelay $0x3  }
0x147: {  	[tilespmem:v49+s26+$0x0] =	vst.idx.msk $0xffff, v3;
	v3 =	vmul.f32 $7.700000000e+01, v1  }
0x148: {  	v51 =	vor.u32 $0x3, v5;
	v6 =	vld.idx.msk [tilespmem:v50+s3+$0x0], $0xffff  }
0x149: {  	v52 =	vmul.f32 $7.700000000e+01, v2;
	v4 =	vadd.s32 $0x65D8, v4;
	v3 =	vtrunc.f32 v3  }
0x14a: {  	v3 =	vcvt.f32.s32 v3  }
0x14b: {  	v8 =	vtrunc.f32 v52  }
0x14c: {  	v8 =	vcvt.f32.s32 v8;
	v3 =	vmul.u32 $0x4E, v3  }
0x14d: {  	[tilespmem:v51+s26+$0x0] =	vst.idx.msk $0xffff, v6  }
0x14e: {  	v53 =	vor.u32 $0xB, v5;
	v4 =	vld.idx.msk [tilespmem:v4+s3+$0x0], $0xffff;
	v3 =	vadd.s32 v8, v3  }
0x14f: {  	v54 =	vadd.s32 $0x1278, v3;
	_ =	sdelay $0x3  }
0x150: {  	v55 =	vmul.f32 $1.140000000e+02, v1;
	[tilespmem:v53+s26+$0x0] =	vst.idx.msk $0xffff, v4  }
0x151: {  	v56 =	vor.u32 $0x4, v5;
	v6 =	vld.idx.msk [tilespmem:v54+s3+$0x0], $0xffff  }
0x152: {  	v57 =	vmul.f32 $1.140000000e+02, v2;
	v3 =	vadd.s32 $0x7068, v3;
	v4 =	vtrunc.f32 v55  }
0x153: {  	v4 =	vcvt.f32.s32 v4  }
0x154: {  	v8 =	vtrunc.f32 v57  }
0x155: {  	v8 =	vcvt.f32.s32 v8;
	v4 =	vmul.u32 $0x73, v4  }
0x156: {  	[tilespmem:v56+s26+$0x0] =	vst.idx.msk $0xffff, v6  }
0x157: {  	v58 =	vor.u32 $0xC, v5;
	v4 =	vadd.s32 v8, v4;
	v3 =	vld.idx.msk [tilespmem:v3+s3+$0x0], $0xffff  }
0x158: {  	v59 =	vadd.s32 $0x2A40, v4;
	_ =	sdelay $0x3  }
0x159: {  	[tilespmem:v58+s26+$0x0] =	vst.idx.msk $0xffff, v3  }
0x15a: {  	v60 =	vor.u32 $0x5, v5;
	v3 =	vld.idx.msk [tilespmem:v59+s3+$0x0], $0xffff  }
0x15b: {  	v4 =	vadd.s32 $0x8830, v4;
	_ =	sdelay $0x1  }
0x15c: {  	v61 =	vmul.f32 $1.710000000e+02, v2  }
0x15d: {  	v62 =	vmul.f32 $1.710000000e+02, v1;
	v2 =	vmul.f32 $2.550000000e+02, v2  }
0x15e: {  	v1 =	vmul.f32 $2.550000000e+02, v1;
	[tilespmem:v60+s26+$0x0] =	vst.idx.msk $0xffff, v3  }
0x15f: {  	v63 =	vtrunc.f32 v62;
	v2 =	vtrunc.f32 v2;
	v5 =	vor.u32 $0xD, v5;
	v4 =	vld.idx.msk [tilespmem:v4+s3+$0x0], $0xffff  }
0x160: {  	v1 =	vtrunc.f32 v1;
	v6 =	vcvt.f32.s32 v63  }
0x161: {  	v1 =	vcvt.f32.s32 v1;
	v3 =	vtrunc.f32 v61  }
0x162: {  	s9 =	sadd.s32 $0x2, s9;
	v2 =	vcvt.f32.s32 v2;
	v6 =	vmul.u32 $0xAC, v6;
	v3 =	vcvt.f32.s32 v3  }
0x163: {  	p1 =	slt.u32 s9, $0x3E;
	v1 =	vshll.u32 v1, $0x8  }
.Ltmp1:
0x164: {  	v1 =	vadd.s32 v2, v1;
	v3 =	vadd.s32 v3, v6;
	[tilespmem:v5+s26+$0x0] =	vst.idx.msk $0xffff, v4;
	(pc) =	sbr.rel @p1 .LBB2_5-.Ltmp1, $4  }
0x165: {  	v2 =	vadd.s32 $0xE720, v1;
	[tilespmem:s10+$0xFFFFF810] =	vst v3  }
0x166: {  	v1 =	vadd.s32 $0x1E720, v1;
	[tilespmem:s10+$0x10] =	vst v2  }
0x167: {  	s8 =	sadd.s32 $0x20, s8;
	v3 =	vadd.s32 $0x7390, v3;
	[tilespmem:s10+$0x410] =	vst v1  }
0x168: {  	s11 =	sadd.s32 $0x20, s11;
	s13 =	sadd.s32 $0x20, s13;
	[tilespmem:s10+$0xFFFFFC10] =	vst v3;
	s10 =	sadd.s32 $0x20, s10  }
0x169: {  	[tilespmem:s29], [sflag:$0x2] =	stream.indirect.gather [spmem:s2], $0x1, s28, s23, $0xb8;
	[tilespmem:$0x1B258] =	vst v63  }
0x16a: {  	s8 =	simm.s32 $0x0  }
0x16b: {  	_ =	swait.ge [sflag:s30], $0x1000;
	v1 =	vmov s8  }
0x16c: {  	[sflag:s30] =	ssyncset.done $0x0;
	v1 =	vshll.u32 v1, $0x4  }
0x16d: {  	s8 =	simm.s32 $0xDBE0;
	[sflag:s30] =	ssyncadd.s32 $0xFFFFF000;
	v1 =	vor.u32 v0, v1  }
0x16e: {  	v2 =	vld [tilespmem:s8+$0xFFFFF800];
	v3 =	vor.u32 $0x6, v1;
	_ =	sdelay $0x4  }
0x16f: {  	[tilespmem:v3+s22+$0x0] =	vst.idx.msk $0xffff, v2  }
0x170: {  	v3 =	vor.u32 $0xE, v1;
	v2 =	vld [tilespmem:s8+$0xFFFFFC00];
	_ =	sdelay $0x4  }
0x171: {  	[tilespmem:v3+s22+$0x0] =	vst.idx.msk $0xffff, v2  }
0x172: {  	v3 =	vor.u32 $0x7, v1;
	v2 =	vld [tilespmem:s8+$0x0];
	_ =	sdelay $0x4  }
0x173: {  	[tilespmem:v3+s22+$0x0] =	vst.idx.msk $0xffff, v2  }
0x174: {  	v1 =	vor.u32 $0xF, v1;
	v2 =	vld [tilespmem:s8+$0x400];
	_ =	sdelay $0x1  }
0x175: {  	s9 =	simm.s32 $0x10  }
0x176: {  	v3 =	vmov s9  }
0x177: {  	v3 =	vshll.u32 v3, $0x4  }
0x178: {  	[tilespmem:v1+s22+$0x0] =	vst.idx.msk $0xffff, v2;
	v1 =	vor.u32 v0, v3  }
0x179: {  	v2 =	vld [tilespmem:s8+$0xFFFFF810];
	v3 =	vor.u32 $0x6, v1;
	_ =	sdelay $0x4  }
0x17a: {  	[tilespmem:v3+s22+$0x0] =	vst.idx.msk $0xffff, v2  }
0x17b: {  	v3 =	vor.u32 $0xE, v1;
	v2 =	vld [tilespmem:s8+$0xFFFFFC10];
	_ =	sdelay $0x4  }
0x17c: {  	[tilespmem:v3+s22+$0x0] =	vst.idx.msk $0xffff, v2  }
0x17d: {  	v3 =	vor.u32 $0x7, v1;
	v2 =	vld [tilespmem:s8+$0x10];
	_ =	sdelay $0x4  }
0x17e: {  	[tilespmem:v3+s22+$0x0] =	vst.idx.msk $0xffff, v2  }
0x17f: {  	v1 =	vor.u32 $0xF, v1;
	v2 =	vld [tilespmem:s8+$0x410];
	_ =	sdelay $0x1  }
0x180: {  	s13 =	simm.s32 $0x20  }
0x181: {  	v3 =	vmov s13  }
0x182: {  	v3 =	vshll.u32 v3, $0x4  }
0x183: {  	[tilespmem:v1+s22+$0x0] =	vst.idx.msk $0xffff, v2;
	v1 =	vor.u32 v0, v3  }
0x184: {  	v2 =	vld [tilespmem:s8+$0xFFFFF820];
	v3 =	vor.u32 $0x6, v1;
	_ =	sdelay $0x4  }
0x185: {  	[tilespmem:v3+s22+$0x0] =	vst.idx.msk $0xffff, v2  }
0x186: {  	v3 =	vor.u32 $0xE, v1;
	v2 =	vld [tilespmem:s8+$0xFFFFFC20];
	_ =	sdelay $0x4  }
0x187: {  	[tilespmem:v3+s22+$0x0] =	vst.idx.msk $0xffff, v2  }
0x188: {  	v3 =	vor.u32 $0x7, v1;
	v2 =	vld [tilespmem:s8+$0x20];
	_ =	sdelay $0x4  }
0x189: {  	[tilespmem:v3+s22+$0x0] =	vst.idx.msk $0xffff, v2  }
0x18a: {  	v1 =	vor.u32 $0xF, v1;
	v2 =	vld [tilespmem:s8+$0x420];
	_ =	sdelay $0x1  }
0x18b: {  	s16 =	simm.s32 $0x30  }
0x18c: {  	v3 =	vmov s16  }
0x18d: {  	v3 =	vshll.u32 v3, $0x4  }
0x18e: {  	[tilespmem:v1+s22+$0x0] =	vst.idx.msk $0xffff, v2;
	v2 =	vor.u32 v0, v3  }
0x18f: {  	v1 =	vld [tilespmem:s8+$0xFFFFF830];
	v3 =	vor.u32 $0x6, v2;
	_ =	sdelay $0x4  }
0x190: {  	[tilespmem:v3+s22+$0x0] =	vst.idx.msk $0xffff, v1  }
0x191: {  	v3 =	vor.u32 $0xE, v2;
	v1 =	vld [tilespmem:s8+$0xFFFFFC30];
	_ =	sdelay $0x4  }
0x192: {  	[tilespmem:v3+s22+$0x0] =	vst.idx.msk $0xffff, v1  }
0x193: {  	v3 =	vor.u32 $0x7, v2;
	v1 =	vld [tilespmem:s8+$0x30];
	_ =	sdelay $0x4  }
0x194: {  	[tilespmem:v3+s22+$0x0] =	vst.idx.msk $0xffff, v1  }
0x195: {  	v2 =	vor.u32 $0xF, v2;
	v1 =	vld [tilespmem:s8+$0x430];
	_ =	sdelay $0x1  }
0x196: {  	s10 =	simm.s32 $0x40;
	s9 =	simm.s32 $0x0  }
.LBB2_7:
0x197: {  	v3 =	vmov s10;
	s9 =	sadd.s32 $0x4, s9  }
0x198: {  	v3 =	vshll.u32 v3, $0x4;
	p1 =	slt.u32 s9, $0x3C  }
0x199: {  	s8 =	sadd.s32 $0x40, s8;
	v3 =	vor.u32 v0, v3;
	[tilespmem:v2+s22+$0x0] =	vst.idx.msk $0xffff, v1  }
0x19a: {  	v1 =	vld [tilespmem:s8+$0xFFFFF800];
	v2 =	vor.u32 $0x6, v3;
	_ =	sdelay $0x4  }
0x19b: {  	[tilespmem:v2+s22+$0x0] =	vst.idx.msk $0xffff, v1  }
0x19c: {  	v2 =	vor.u32 $0xE, v3;
	v1 =	vld [tilespmem:s8+$0xFFFFFC00];
	_ =	sdelay $0x4  }
0x19d: {  	[tilespmem:v2+s22+$0x0] =	vst.idx.msk $0xffff, v1  }
0x19e: {  	v2 =	vor.u32 $0x7, v3;
	v1 =	vld [tilespmem:s8+$0x0];
	_ =	sdelay $0x4  }
0x19f: {  	[tilespmem:v2+s22+$0x0] =	vst.idx.msk $0xffff, v1  }
0x1a0: {  	v2 =	vor.u32 $0xF, v3;
	v1 =	vld [tilespmem:s8+$0x400];
	_ =	sdelay $0x1  }
0x1a1: {  	s11 =	sadd.s32 $0x10, s10  }
0x1a2: {  	v3 =	vmov s11  }
0x1a3: {  	v3 =	vshll.u32 v3, $0x4  }
0x1a4: {  	[tilespmem:v2+s22+$0x0] =	vst.idx.msk $0xffff, v1;
	v1 =	vor.u32 v0, v3  }
0x1a5: {  	v2 =	vld [tilespmem:s8+$0xFFFFF810];
	v3 =	vor.u32 $0x6, v1;
	_ =	sdelay $0x4  }
0x1a6: {  	[tilespmem:v3+s22+$0x0] =	vst.idx.msk $0xffff, v2  }
0x1a7: {  	v3 =	vor.u32 $0xE, v1;
	v2 =	vld [tilespmem:s8+$0xFFFFFC10];
	_ =	sdelay $0x4  }
0x1a8: {  	[tilespmem:v3+s22+$0x0] =	vst.idx.msk $0xffff, v2  }
0x1a9: {  	v3 =	vor.u32 $0x7, v1;
	v2 =	vld [tilespmem:s8+$0x10];
	_ =	sdelay $0x4  }
0x1aa: {  	[tilespmem:v3+s22+$0x0] =	vst.idx.msk $0xffff, v2  }
0x1ab: {  	v1 =	vor.u32 $0xF, v1;
	v2 =	vld [tilespmem:s8+$0x410];
	_ =	sdelay $0x1  }
0x1ac: {  	s11 =	sadd.s32 $0x20, s10  }
0x1ad: {  	v3 =	vmov s11  }
0x1ae: {  	v3 =	vshll.u32 v3, $0x4  }
0x1af: {  	[tilespmem:v1+s22+$0x0] =	vst.idx.msk $0xffff, v2;
	v1 =	vor.u32 v0, v3  }
0x1b0: {  	v2 =	vld [tilespmem:s8+$0xFFFFF820];
	v3 =	vor.u32 $0x6, v1;
	_ =	sdelay $0x4  }
0x1b1: {  	[tilespmem:v3+s22+$0x0] =	vst.idx.msk $0xffff, v2  }
0x1b2: {  	v3 =	vor.u32 $0xE, v1;
	v2 =	vld [tilespmem:s8+$0xFFFFFC20];
	_ =	sdelay $0x4  }
0x1b3: {  	[tilespmem:v3+s22+$0x0] =	vst.idx.msk $0xffff, v2  }
0x1b4: {  	v3 =	vor.u32 $0x7, v1;
	v2 =	vld [tilespmem:s8+$0x20];
	_ =	sdelay $0x4  }
0x1b5: {  	[tilespmem:v3+s22+$0x0] =	vst.idx.msk $0xffff, v2  }
0x1b6: {  	v1 =	vor.u32 $0xF, v1;
	v2 =	vld [tilespmem:s8+$0x420];
	_ =	sdelay $0x1  }
0x1b7: {  	s11 =	sadd.s32 $0x30, s10  }
0x1b8: {  	v3 =	vmov s11  }
0x1b9: {  	v3 =	vshll.u32 v3, $0x4  }
0x1ba: {  	[tilespmem:v1+s22+$0x0] =	vst.idx.msk $0xffff, v2;
	v2 =	vor.u32 v0, v3  }
0x1bb: {  	v1 =	vld [tilespmem:s8+$0xFFFFF830];
	v3 =	vor.u32 $0x6, v2;
	_ =	sdelay $0x4  }
0x1bc: {  	[tilespmem:v3+s22+$0x0] =	vst.idx.msk $0xffff, v1  }
0x1bd: {  	v3 =	vor.u32 $0xE, v2;
	v1 =	vld [tilespmem:s8+$0xFFFFFC30];
	_ =	sdelay $0x4  }
0x1be: {  	[tilespmem:v3+s22+$0x0] =	vst.idx.msk $0xffff, v1  }
0x1bf: {  	v3 =	vor.u32 $0x7, v2;
	v1 =	vld [tilespmem:s8+$0x30];
	_ =	sdelay $0x3  }
.Ltmp2:
0x1c0: {  	(pc) =	sbr.rel @p1 .LBB2_7-.Ltmp2, $3  }
0x1c1: {  	[tilespmem:v3+s22+$0x0] =	vst.idx.msk $0xffff, v1  }
0x1c2: {  	v2 =	vor.u32 $0xF, v2;
	v1 =	vld [tilespmem:s8+$0x430];
	_ =	sdelay $0x1  }
0x1c3: {  	s10 =	sadd.s32 $0x40, s10  }
0x1c4: {  	_ =	sdelay $0x2  }
0x1c5: {  	s6 =	sshll.u32 s6, $0x1  }
0x1c6: {  	s8 =	simm.s32 $0x0;
	s6 =	sadd.s32 s1, s6;
	[tilespmem:v2+s22+$0x0] =	vst.idx.msk $0xffff, v1  }
0x1c7: {  	[hbm4b:s6+s8] =	stream.linear.scatter [tilespmem:s22], [sflag:$0x3], $0x4000, $0x38;
	[tilespmem:$0x1B258] =	vst v63  }
0x1c8: {  	_ =	swait.ge [sflag:s14], $0x4000  }
0x1c9: {  	[sflag:s14] =	ssyncset.done $0x0  }
0x1ca: {  	[sflag:s14] =	ssyncadd.s32 $0xFFFFC000  }
0x1cb: {  	v1 =	vmov s8;
	_ =	swait.ge [sflag:s31], $0x1000  }
0x1cc: {  	v1 =	vshll.u32 v1, $0x4;
	[sflag:s31] =	ssyncset.done $0x0  }
0x1cd: {  	s6 =	simm.s32 $0x13BE0;
	v1 =	vor.u32 v0, v1;
	[sflag:s31] =	ssyncadd.s32 $0xFFFFF000  }
0x1ce: {  	v3 =	vor.u32 $0x6, v1;
	v2 =	vld [tilespmem:s6+$0xFFFFF800];
	_ =	sdelay $0x4  }
0x1cf: {  	[tilespmem:v3+s26+$0x0] =	vst.idx.msk $0xffff, v2  }
0x1d0: {  	v3 =	vor.u32 $0xE, v1;
	v2 =	vld [tilespmem:s6+$0xFFFFFC00];
	_ =	sdelay $0x4  }
0x1d1: {  	[tilespmem:v3+s26+$0x0] =	vst.idx.msk $0xffff, v2  }
0x1d2: {  	v3 =	vor.u32 $0x7, v1;
	v2 =	vld [tilespmem:s6+$0x0];
	_ =	sdelay $0x4  }
0x1d3: {  	[tilespmem:v3+s26+$0x0] =	vst.idx.msk $0xffff, v2  }
0x1d4: {  	v1 =	vor.u32 $0xF, v1;
	v2 =	vld [tilespmem:s6+$0x400];
	_ =	sdelay $0x1  }
0x1d5: {  	s11 =	simm.s32 $0x10  }
0x1d6: {  	v3 =	vmov s11  }
0x1d7: {  	v3 =	vshll.u32 v3, $0x4  }
0x1d8: {  	[tilespmem:v1+s26+$0x0] =	vst.idx.msk $0xffff, v2;
	v1 =	vor.u32 v0, v3  }
0x1d9: {  	v2 =	vld [tilespmem:s6+$0xFFFFF810];
	v3 =	vor.u32 $0x6, v1;
	_ =	sdelay $0x4  }
0x1da: {  	[tilespmem:v3+s26+$0x0] =	vst.idx.msk $0xffff, v2  }
0x1db: {  	v3 =	vor.u32 $0xE, v1;
	v2 =	vld [tilespmem:s6+$0xFFFFFC10];
	_ =	sdelay $0x4  }
0x1dc: {  	[tilespmem:v3+s26+$0x0] =	vst.idx.msk $0xffff, v2  }
0x1dd: {  	v3 =	vor.u32 $0x7, v1;
	v2 =	vld [tilespmem:s6+$0x10];
	_ =	sdelay $0x4  }
0x1de: {  	[tilespmem:v3+s26+$0x0] =	vst.idx.msk $0xffff, v2  }
0x1df: {  	v1 =	vor.u32 $0xF, v1;
	v2 =	vld [tilespmem:s6+$0x410];
	_ =	sdelay $0x1  }
0x1e0: {  	s13 =	simm.s32 $0x20  }
0x1e1: {  	v3 =	vmov s13  }
0x1e2: {  	v3 =	vshll.u32 v3, $0x4  }
0x1e3: {  	[tilespmem:v1+s26+$0x0] =	vst.idx.msk $0xffff, v2;
	v1 =	vor.u32 v0, v3  }
0x1e4: {  	v2 =	vld [tilespmem:s6+$0xFFFFF820];
	v3 =	vor.u32 $0x6, v1;
	_ =	sdelay $0x4  }
0x1e5: {  	[tilespmem:v3+s26+$0x0] =	vst.idx.msk $0xffff, v2  }
0x1e6: {  	v3 =	vor.u32 $0xE, v1;
	v2 =	vld [tilespmem:s6+$0xFFFFFC20];
	_ =	sdelay $0x4  }
0x1e7: {  	[tilespmem:v3+s26+$0x0] =	vst.idx.msk $0xffff, v2  }
0x1e8: {  	v3 =	vor.u32 $0x7, v1;
	v2 =	vld [tilespmem:s6+$0x20];
	_ =	sdelay $0x4  }
0x1e9: {  	[tilespmem:v3+s26+$0x0] =	vst.idx.msk $0xffff, v2  }
0x1ea: {  	v1 =	vor.u32 $0xF, v1;
	v2 =	vld [tilespmem:s6+$0x420];
	_ =	sdelay $0x1  }
0x1eb: {  	s16 =	simm.s32 $0x30  }
0x1ec: {  	v3 =	vmov s16  }
0x1ed: {  	v3 =	vshll.u32 v3, $0x4  }
0x1ee: {  	[tilespmem:v1+s26+$0x0] =	vst.idx.msk $0xffff, v2;
	v2 =	vor.u32 v0, v3  }
0x1ef: {  	v1 =	vld [tilespmem:s6+$0xFFFFF830];
	v3 =	vor.u32 $0x6, v2;
	_ =	sdelay $0x4  }
0x1f0: {  	[tilespmem:v3+s26+$0x0] =	vst.idx.msk $0xffff, v1  }
0x1f1: {  	v3 =	vor.u32 $0xE, v2;
	v1 =	vld [tilespmem:s6+$0xFFFFFC30];
	_ =	sdelay $0x4  }
0x1f2: {  	[tilespmem:v3+s26+$0x0] =	vst.idx.msk $0xffff, v1  }
0x1f3: {  	v3 =	vor.u32 $0x7, v2;
	v1 =	vld [tilespmem:s6+$0x30];
	_ =	sdelay $0x4  }
0x1f4: {  	[tilespmem:v3+s26+$0x0] =	vst.idx.msk $0xffff, v1  }
0x1f5: {  	v2 =	vor.u32 $0xF, v2;
	v1 =	vld [tilespmem:s6+$0x430];
	_ =	sdelay $0x1  }
0x1f6: {  	s9 =	simm.s32 $0x40;
	s8 =	simm.s32 $0x0  }
.LBB2_9:
0x1f7: {  	v3 =	vmov s9;
	s8 =	sadd.s32 $0x4, s8  }
0x1f8: {  	v3 =	vshll.u32 v3, $0x4;
	p1 =	slt.u32 s8, $0x3C  }
0x1f9: {  	s6 =	sadd.s32 $0x40, s6;
	v3 =	vor.u32 v0, v3;
	[tilespmem:v2+s26+$0x0] =	vst.idx.msk $0xffff, v1  }
0x1fa: {  	v1 =	vld [tilespmem:s6+$0xFFFFF800];
	v2 =	vor.u32 $0x6, v3;
	_ =	sdelay $0x4  }
0x1fb: {  	[tilespmem:v2+s26+$0x0] =	vst.idx.msk $0xffff, v1  }
0x1fc: {  	v2 =	vor.u32 $0xE, v3;
	v1 =	vld [tilespmem:s6+$0xFFFFFC00];
	_ =	sdelay $0x4  }
0x1fd: {  	[tilespmem:v2+s26+$0x0] =	vst.idx.msk $0xffff, v1  }
0x1fe: {  	v2 =	vor.u32 $0x7, v3;
	v1 =	vld [tilespmem:s6+$0x0];
	_ =	sdelay $0x4  }
0x1ff: {  	[tilespmem:v2+s26+$0x0] =	vst.idx.msk $0xffff, v1  }
0x200: {  	v2 =	vor.u32 $0xF, v3;
	v1 =	vld [tilespmem:s6+$0x400];
	_ =	sdelay $0x1  }
0x201: {  	s10 =	sadd.s32 $0x10, s9  }
0x202: {  	v3 =	vmov s10  }
0x203: {  	v3 =	vshll.u32 v3, $0x4  }
0x204: {  	[tilespmem:v2+s26+$0x0] =	vst.idx.msk $0xffff, v1;
	v1 =	vor.u32 v0, v3  }
0x205: {  	v2 =	vld [tilespmem:s6+$0xFFFFF810];
	v3 =	vor.u32 $0x6, v1;
	_ =	sdelay $0x4  }
0x206: {  	[tilespmem:v3+s26+$0x0] =	vst.idx.msk $0xffff, v2  }
0x207: {  	v3 =	vor.u32 $0xE, v1;
	v2 =	vld [tilespmem:s6+$0xFFFFFC10];
	_ =	sdelay $0x4  }
0x208: {  	[tilespmem:v3+s26+$0x0] =	vst.idx.msk $0xffff, v2  }
0x209: {  	v3 =	vor.u32 $0x7, v1;
	v2 =	vld [tilespmem:s6+$0x10];
	_ =	sdelay $0x4  }
0x20a: {  	[tilespmem:v3+s26+$0x0] =	vst.idx.msk $0xffff, v2  }
0x20b: {  	v1 =	vor.u32 $0xF, v1;
	v2 =	vld [tilespmem:s6+$0x410];
	_ =	sdelay $0x1  }
0x20c: {  	s10 =	sadd.s32 $0x20, s9  }
0x20d: {  	v3 =	vmov s10  }
0x20e: {  	v3 =	vshll.u32 v3, $0x4  }
0x20f: {  	[tilespmem:v1+s26+$0x0] =	vst.idx.msk $0xffff, v2;
	v1 =	vor.u32 v0, v3  }
0x210: {  	v2 =	vld [tilespmem:s6+$0xFFFFF820];
	v3 =	vor.u32 $0x6, v1;
	_ =	sdelay $0x4  }
0x211: {  	[tilespmem:v3+s26+$0x0] =	vst.idx.msk $0xffff, v2  }
0x212: {  	v3 =	vor.u32 $0xE, v1;
	v2 =	vld [tilespmem:s6+$0xFFFFFC20];
	_ =	sdelay $0x4  }
0x213: {  	[tilespmem:v3+s26+$0x0] =	vst.idx.msk $0xffff, v2  }
0x214: {  	v3 =	vor.u32 $0x7, v1;
	v2 =	vld [tilespmem:s6+$0x20];
	_ =	sdelay $0x4  }
0x215: {  	[tilespmem:v3+s26+$0x0] =	vst.idx.msk $0xffff, v2  }
0x216: {  	v1 =	vor.u32 $0xF, v1;
	v2 =	vld [tilespmem:s6+$0x420];
	_ =	sdelay $0x1  }
0x217: {  	s10 =	sadd.s32 $0x30, s9  }
0x218: {  	v3 =	vmov s10  }
0x219: {  	v3 =	vshll.u32 v3, $0x4  }
0x21a: {  	[tilespmem:v1+s26+$0x0] =	vst.idx.msk $0xffff, v2;
	v2 =	vor.u32 v0, v3  }
0x21b: {  	v1 =	vld [tilespmem:s6+$0xFFFFF830];
	v3 =	vor.u32 $0x6, v2;
	_ =	sdelay $0x4  }
0x21c: {  	[tilespmem:v3+s26+$0x0] =	vst.idx.msk $0xffff, v1  }
0x21d: {  	v3 =	vor.u32 $0xE, v2;
	v1 =	vld [tilespmem:s6+$0xFFFFFC30];
	_ =	sdelay $0x4  }
0x21e: {  	[tilespmem:v3+s26+$0x0] =	vst.idx.msk $0xffff, v1  }
0x21f: {  	v3 =	vor.u32 $0x7, v2;
	v1 =	vld [tilespmem:s6+$0x30];
	_ =	sdelay $0x3  }
.Ltmp3:
0x220: {  	(pc) =	sbr.rel @p1 .LBB2_9-.Ltmp3, $3  }
0x221: {  	[tilespmem:v3+s26+$0x0] =	vst.idx.msk $0xffff, v1  }
0x222: {  	v2 =	vor.u32 $0xF, v2;
	v1 =	vld [tilespmem:s6+$0x430];
	_ =	sdelay $0x1  }
0x223: {  	s9 =	sadd.s32 $0x40, s9  }
0x224: {  	_ =	sdelay $0x1  }
0x225: {  	s15 =	sadd.s32 $0x1, s15  }
0x226: {  	s6 =	sshll.u32 s7, $0x1;
	p1 =	sne.s32 s15, $0x10  }
.Ltmp4:
0x227: {  	s6 =	sadd.s32 s1, s6;
	[tilespmem:v2+s26+$0x0] =	vst.idx.msk $0xffff, v1;
	(pc) =	sbr.rel @p1 .LBB2_2-.Ltmp4, $4  }
0x228: {  	[hbm4b:s6+s3] =	stream.linear.scatter [tilespmem:s26], [sflag:$0x3], $0x4000, $0x38;
	[tilespmem:$0x1B258] =	vst v63  }
0x229: {  	_ =	swait.ge [sflag:s14], $0x4000  }
0x22a: {  	[sflag:s14] =	ssyncset.done $0x0  }
0x22b: {  	[sflag:s14] =	ssyncadd.s32 $0xFFFFC000  }
0x22c: {  	s0 =	sadd.s32 $0x1, s0;
	s6 =	rddreg [dreg:$0xa]  }
0x22d: {  	p1 =	sne.s32 s0, s6  }
.Ltmp5:
0x22e: {  	_ = 	snop;
	(pc) =	sbr.rel @p1 .LBB2_1-.Ltmp5, $1  }
0x22f: {  	_ =	sdelay $0x3  }
0x230: {  	_ =	sfence.sel $0x180000  }
0x231: {  	[bflag:$0x0] =	sbarrier.arrive $0xFFFF  }
0x232: {  	_ =	strace $0x90000047  }
0x233: {  	[bflag:$0x2] =	sbarrier.arrive $0xFFFF  }
0x234: {  	s0 =	rddreg [dreg:$0x3]  }
0x235: {  	s0 =	sadd.s32 @!p0 $0x100000, s0  }
0x236: {  	[sflag:s0] =	ssyncadd.tile.s32 @!p0 $0x1;
	_ =	shalt  }
.Lfunc_end2:
_tile_overlayer_lowered:
.L_overlay_start_2:
0x237: {  	(tag) =	ssettag $0x2  }
0x238: {  	s0 =	rddreg [dreg:$0x0];
	s2 =	stileid.u32  }
0x239: {  	s1 =	rddreg [dreg:$0x1];
	p0 =	sne.s32 s2, $0x0  }
0x23a: {  	s3 =	rddreg [dreg:$0x2];
	[bflag:$0x3] =	sbarrier.arrive $0xFFFF;
	s2 =	simm.s32 @!p0 $0x1C03  }
0x23b: {  	[timem:s3], [sflag:s2] =	dma.local @!p0 [hbm:s0], s1  }
0x23c: {  	s0 =	simm.s32 @!p0 $0x3  }
0x23d: {  	_ =	swait.ge @!p0 [sflag:s0], s1  }
0x23e: {  	s1 =	ssub.s32 @!p0 $0x0, s1;
	[sflag:s0] =	ssyncset.done @!p0 $0x0  }
0x23f: {  	[sflag:s0] =	ssyncadd.s32 @!p0 s1  }
0x240: {  	[bflag:$0x3] =	sbarrier.arrive $0xFFFF  }
0x241: {  	_ =	shalt  }

// kernel: sparse-core-data-format-call.cloned.1.call-start
scs
called_computation_lowered:
.L_overlay_start_0:
0x0: {  	s2 =	sld [smem:$0x3FD9]  }
0x1: {  	s3 =	sld [smem:$0x3FFE];
	_ =	sdelay $0x1  }
0x2: {  	s1 =	srdreg.scid  }
0x3: {  	s0 =	sand.u32 $0x1, s1  }
0x4: {  	s18 =	sshll.u32 s0, $0xA;
	s2 =	sadd.s32 s3, s2  }
0x5: {  	s2 =	sadd.s32 s2, s18  }
0x6: {  	[smem:$0x3FBF] =	sst s2  }
0x7: {  	_ = 	snop  }
0x8: {  	s2 =	sld [smem:$0x3FD0];
	(tm) =	ssettm $0x1  }
0x9: {  	s19 =	sld [smem:$0x3FFB];
	_ =	sdelay $0x3  }
0xa: {  	_ =	strace s19  }
0xb: {  	s3 =	sld [smem:$0x3FFC];
	_ =	sdelay $0x3  }
0xc: {  	_ =	strace s3  }
0xd: {  	s3 =	sld [smem:$0x3FFD];
	_ =	sdelay $0x3  }
0xe: {  	_ =	strace s3  }
0xf: {  	_ =	strace $0x8FFFFFFF  }
0x10: {  	s20 =	sld [smem:$0x3FDB];
	_ =	sdelay $0x1  }
0x11: {  	s4 =	simm.s32 $_scs_section_size  }
0x12: {  	s5 =	simm.s32 $_size__tile_overlayer_lowered;
	s6 =	simm.s32 $_tile_overlayer_lowered  }
0x13: {  	s23 =	simm.s32 $0x1BFF;
	s22 =	sshll.u32 s6, $0x1;
	s3 =	sadd.s32 s4, s20  }
0x14: {  	s7 =	simm.s32 $0x0;
	s21 =	sshll.u32 s5, $0x1;
	s5 =	sadd.s32 s22, s3  }
0x15: {  	[timem:s7], [sflag:s23] =	dma.local [hbm:s5], s21  }
0x16: {  	_ =	swait.ge [sflag:s23], s21  }
0x17: {  	s4 =	ssub.s32 $0x0, s21;
	[sflag:s23] =	ssyncset.done $0x0  }
0x18: {  	[sflag:s23] =	ssyncadd.s32 s4;
	_ =	sdelay $0x1  }
0x19: {  	s24 =	simm.s32 $0x1B8B  }
0x1a: {  	_ =	swait.ge [sflag:s24], $0x1  }
0x1b: {  	[sflag:s24] =	ssyncset.done $0x0  }
0x1c: {  	s26 =	simm.s32 $0x1B8E;
	s25 =	sld [smem:$0x3FFE];
	[sflag:s24] =	ssyncadd.s32 $0xFFFFFFFF  }
0x1d: {  	s27 =	simm.s32 $execute0_lowered;
	[smem:$0x3FD2] =	sst s26  }
0x1e: {  	s5 =	sshll.u32 s27, $0x1;
	_ =	strace $0x80000049;
	[dreg:$0x1] =	wrdreg $0xFFFFFFFF  }
0x1f: {  	s28 =	simm.s32 $_size_execute0_lowered;
	s3 =	sadd.s32 s3, s5;
	[dreg:$0x0] =	wrdreg $0x0  }
0x20: {  	s5 =	sshll.u32 s28, $0x1;
	[dreg:$0x2] =	wrdreg s3  }
0x21: {  	[dreg:$0x3] =	wrdreg s5  }
0x22: {  	[dreg:$0x4] =	wrdreg $0xC0  }
0x23: {  	_ =	task [dreg:s7], $0x5FFFF  }
0x24: {  	[dreg:$0x1] =	wrdreg $0xFFFFFFFF  }
0x25: {  	[dreg:$0x0] =	wrdreg $0x60  }
0x26: {  	[dreg:$0x2] =	wrdreg s25  }
0x27: {  	[dreg:$0x3] =	wrdreg s2  }
0x28: {  	[dreg:$0x4] =	wrdreg $0x9  }
0x29: {  	_ =	task.clear_ibuf [dreg:s7], $0x5FFFF;
	_ =	strace $0x90000049  }
0x2a: {  	s29 =	simm.s32 $0x9;
	_ =	strace $0x8000004B  }
0x2b: {  	_ =	swait.ge [sflag:s29], $0x1  }
0x2c: {  	[sflag:s29] =	ssyncadd.s32 $0xFFFFFFFF  }
0x2d: {  	_ =	strace $0x9000004B  }
0x2e: {  	_ =	sfence  }
0x2f: {  	s30 =	sld [smem:$0x0];
	_ =	sdelay $0x2  }
0x30: {  	s31 =	sshll.u32 s1, $0xD;
	s1 =	sshrl.u32 s1, $0x2  }
0x31: {  	s3 =	sand.u32 $0x4000, s31;
	s1 =	sadd.s32 s1, s30  }
0x32: {  	s0 =	sor.u32 s3, s0;
	s1 =	sshll.u32 s1, $0x11  }
0x33: {  	s0 =	sor.u32 s1, s0  }
0x34: {  	s0 =	sadd.s32 $0x8F2B, s0  }
0x35: {  	[sflag:s0] =	ssyncadd.remote.s32 $0x1  }
0x36: {  	_ =	sfence.sel $0xFFFF  }
0x37: {  	[dreg:$0x0] =	wrdreg $0xFFFFFFFF;
	(pc) =	sbr.abs _section_cstart, $3  }
0x38: {  	[dreg:$0x1] =	wrdreg $0xFFFFFFFF  }
0x39: {  	_ =	task.clear_ibuf [dreg:s7], $0x2FFFF;
	_ =	strace $0x9FFFFFFF  }
0x3a: {  	(tm) =	ssettm $0x7FFFFFFF  }
0x3b: {  	_ =	shalt  }
tec
execute0_lowered:
.L_overlay_start_1:
0x0: {  	(tag) =	ssettag $0x1  }
0x1: {  	s0 =	srdreg.scid  }
0x2: {  	s1 =	sshll.u32 s0, $0x4  }
0x3: {  	s4 =	rddreg [dreg:$0x0];
	s0 =	stileid.u32;
	s1 =	sand.u32 $0x10, s1  }
0x4: {  	s2 =	rddreg [dreg:$0x1];
	s7 =	simm.s32 $0x1;
	s1 =	sor.u32 s0, s1  }
0x5: {  	s8 =	simm.s32 $0x2;
	s11 =	simm.s32 $0x0;
	s3 =	sshll.u32 s1, $0x7  }
0x6: {  	s10 =	simm.s32 $0x0;
	s4 =	sadd.s32 $0x1C00, s4;
	s6 =	ssub.s32 $0x100000, s3  }
.Ltmp0:
0x7: {  	s1 =	rddreg [dreg:$0x2];
	s5 =	sand.u32 $0xF80, s6;
	(pc) =	sbr.rel .LBB1_1-.Ltmp0, $4  }
0x8: {  	_ =	strace $0x8000004A;
	s9 =	smov.u32 s3;
	p0 =	sne.s32 s5, $0x0  }
0x9: {  	s6 =	sshrl.u32 s6, $0xC;
	s5 =	simm.s32 $0x1;
	s7 =	simm.s32 @!p0 $0x0  }
0xa: {  	[sflag:s5] =	ssyncpa.u1 $0x0;
	p0 =	por $0x0, $0x0;
	s6 =	sadd.s32 s7, s6  }
0xb: {  	[sflag:s8] =	ssyncpa.u1 $0x0;
	s8 =	simm.s32 $0x800000;
	s7 =	sadd.s32 $0x1, s6  }
.LBB1_4:
0xc: {  	[tilespmem:s12+$0xFFFFFFFC ss:$0x81] =	vst.msk $0xffff, v2;
	s14 =	sshll.u32 s11, $0x3  }
0xd: {  	[tilespmem:s12+$0xFFFFFFFD ss:$0x81] =	vst.msk $0xffff, v3;
	s15 =	sand.u32 $0x78, s11;
	s14 =	sand.u32 $0xFFC00, s14  }
0xe: {  	[tilespmem:s12+$0xFFFFFFFE ss:$0x81] =	vst.msk $0xffff, v1;
	s29 =	sand.u32 $0x1E0000, s11;
	s30 =	sand.u32 $0x7, s11;
	s14 =	sor.u32 s15, s14  }
0xf: {  	[tilespmem:s12+$0xFFFFFFFF ss:$0x81] =	vst.msk $0xffff, v4;
	s11 =	sshll.u32 s30, $0x12;
	s15 =	sadd.s32 s2, s29;
	s14 =	sshrl.u32 s14, $0x3  }
0x10: {  	[tilespmem:s12+$0xFFFFFFF9 ss:$0x81] =	vst.msk $0xffff, v0;
	s11 =	sor.u32 $0x400, s11;
	s31 =	sadd.s32 s14, s15  }
0x11: {  	[hbm4b:s31+s11] =	stream.strided.scatter [tilespmem:s13], [sflag:$0x2], $0x800, s8, s11, $0x20;
	[tilespmem:$0x2020] =	vst v63  }
.LBB1_5:
0x12: {  	s13 =	sadd.s32 $0x1000, s9  }
0x13: {  	p2 =	sgt.s32 s13, $0xFFFFF  }
0x14: {  	s13 =	smov.u32 @p2 s3;
	p2 =	sne.s32 s10, s7  }
.Ltmp1:
0x15: {  	p1 =	slt.u32 s10, $0x2;
	(pc) =	sbr.rel @!p2 .LBB1_6-.Ltmp1, $4  }
0x16: {  	s12 =	simm.s32 @!p1 $0x2  }
0x17: {  	s14 =	sadd.s32 $0x1, s10;
	_ =	swait.ge @!p1 [sflag:s12], $0x800  }
0x18: {  	s11 =	smov.u32 s9;
	p0 =	por !p0, !p0;
	[sflag:s12] =	ssyncset.done @!p1 $0x0  }
0x19: {  	s10 =	smov.u32 s14;
	s9 =	smov.u32 s13;
	[sflag:s12] =	ssyncadd.s32 @!p1 $0xFFFFF800  }
.LBB1_1:
0x1a: {  	p1 =	sge.u32 s10, s6  }
0x1b: {  	s31 =	sadd.s32 $0xFFFFFFFF, s10;
	s12 =	sxor.u32 @!p1 $0xFFFFFFFF, s10;
	s13 =	sshll.u32 @!p1 s9, $0x4  }
0x1c: {  	s14 =	simm.s32 @!p1 $0x10;
	s12 =	sshll.u32 @!p1 s12, $0xB;
	s13 =	sand.u32 @!p1 $0xFFFFF0, s13  }
0x1d: {  	s15 =	simm.s32 @!p1 $0x80;
	s12 =	sand.u32 @!p1 $0x800, s12;
	s13 =	sadd.s32 @!p1 s4, s13  }
0x1e: {  	[tilespmem:s12], [sflag:$0x1] =	stream.strided.gather @!p1 [hbm4b:s13+s14], $0x800, s15, s14, $0x38;
	[tilespmem:$0x2020] =	vst v63  }
0x1f: {  	p1 =	sge.u32 s31, s6  }
.Ltmp2:
0x20: {  	_ = 	snop;
	(pc) =	sbr.rel @p1 .LBB1_5-.Ltmp2, $1  }
0x21: {  	_ =	sdelay $0x3  }
0x22: {  	s12 =	simm.s32 $0x1  }
0x23: {  	_ =	swait.ge [sflag:s5], $0x800;
	s12 =	simm.s32 @!p0 $0x0  }
0x24: {  	[sflag:s5] =	ssyncset.done $0x0;
	s13 =	sshll.u32 s12, $0xB  }
0x25: {  	[sflag:s5] =	ssyncadd.s32 $0xFFFFF800;
	s15 =	sor.u32 $0x40, s13  }
0x26: {  	v0 =	vld [tilespmem:s15+$0x30]  }
0x27: {  	s12 =	smul.u32 $0x2040, s12;
	v4 =	vld [tilespmem:s15+$0xFFFFFFD0]  }
0x28: {  	v5 =	vld [tilespmem:s15+$0xFFFFFFE0]  }
0x29: {  	s31 =	sand.u32 $0x1, s10;
	s12 =	sshrl.u32 s12, $0x2;
	v2 =	vld [tilespmem:s15+$0xFFFFFFF0]  }
0x2a: {  	s13 =	smul.u32 $0x2040, s31;
	v3 =	vld [tilespmem:s15+$0x0];
	s12 =	sor.u32 $0x1007, s12  }
0x2b: {  	v1 =	vld [tilespmem:s15+$0x10];
	[tilespmem:s12+$0x0 ss:$0x81] =	vst.msk $0xffff, v0  }
0x2c: {  	s13 =	sshrl.u32 s13, $0x2;
	[tilespmem:s12+$0xFFFFFFFA ss:$0x81] =	vst.msk $0xffff, v4;
	v4 =	vld [tilespmem:s15+$0x20]  }
0x2d: {  	s14 =	simm.s32 $0x0;
	s13 =	sor.u32 $0x1000, s13;
	v0 =	vld [tilespmem:s15+$0xFFFFFFC0];
	[tilespmem:s12+$0xFFFFFFFB ss:$0x81] =	vst.msk $0xffff, v5;
	s15 =	sadd.s32 $0x80, s15  }
.LBB1_3:
0x2e: {  	v5 =	vld [tilespmem:s15+$0x30];
	s14 =	sadd.s32 $0x8, s14;
	[tilespmem:s12+$0xFFFFFFFC ss:$0x81] =	vst.msk $0xffff, v2  }
0x2f: {  	v6 =	vld [tilespmem:s15+$0xFFFFFFD0];
	p1 =	slt.u32 s14, $0x78;
	[tilespmem:s12+$0xFFFFFFFD ss:$0x81] =	vst.msk $0xffff, v3  }
0x30: {  	v7 =	vld [tilespmem:s15+$0xFFFFFFE0];
	[tilespmem:s12+$0xFFFFFFFE ss:$0x81] =	vst.msk $0xffff, v1  }
.Ltmp3:
0x31: {  	v2 =	vld [tilespmem:s15+$0xFFFFFFF0];
	[tilespmem:s12+$0xFFFFFFFF ss:$0x81] =	vst.msk $0xffff, v4;
	(pc) =	sbr.rel @p1 .LBB1_3-.Ltmp3, $4  }
0x32: {  	v3 =	vld [tilespmem:s15+$0x0];
	[tilespmem:s12+$0xFFFFFFF9 ss:$0x81] =	vst.msk $0xffff, v0;
	s12 =	sadd.s32 $0x8, s12  }
0x33: {  	v1 =	vld [tilespmem:s15+$0x10];
	[tilespmem:s12+$0x0 ss:$0x81] =	vst.msk $0xffff, v5  }
0x34: {  	[tilespmem:s12+$0xFFFFFFFA ss:$0x81] =	vst.msk $0xffff, v6;
	v4 =	vld [tilespmem:s15+$0x20]  }
0x35: {  	v0 =	vld [tilespmem:s15+$0xFFFFFFC0];
	[tilespmem:s12+$0xFFFFFFFB ss:$0x81] =	vst.msk $0xffff, v7;
	s15 =	sadd.s32 $0x80, s15  }
.Ltmp4:
0x36: {  	_ = 	snop;
	(pc) =	sbr.rel .LBB1_4-.Ltmp4, $1  }
0x37: {  	_ =	sdelay $0x3  }
.LBB1_6:
0x38: {  	_ =	sfence.sel $0x180000  }
0x39: {  	s2 =	simm.s32 $0x1;
	[bflag:$0x0] =	sbarrier.arrive $0xFFFF  }
0x3a: {  	s31 =	simm.s32 $0x2;
	[sflag:s2] =	ssyncpa.u1 $0x1  }
0x3b: {  	[sflag:s31] =	ssyncpa.u1 $0x1  }
0x3c: {  	p0 =	sne.s32 s0, $0x0;
	_ =	strace $0x9000004A  }
0x3d: {  	s0 =	sadd.s32 @!p0 $0x100000, s1;
	[bflag:$0x2] =	sbarrier.arrive $0xFFFF  }
0x3e: {  	[sflag:s0] =	ssyncadd.tile.s32 @!p0 $0x1;
	_ =	shalt  }
.Lfunc_end1:
_tile_overlayer_lowered:
.L_overlay_start_2:
0x3f: {  	(tag) =	ssettag $0x2  }
0x40: {  	s0 =	rddreg [dreg:$0x0];
	s2 =	stileid.u32  }
0x41: {  	s1 =	rddreg [dreg:$0x1];
	p0 =	sne.s32 s2, $0x0  }
0x42: {  	s3 =	rddreg [dreg:$0x2];
	[bflag:$0x3] =	sbarrier.arrive $0xFFFF;
	s2 =	simm.s32 @!p0 $0x1C01  }
0x43: {  	[timem:s3], [sflag:s2] =	dma.local @!p0 [hbm:s0], s1  }
0x44: {  	s0 =	simm.s32 @!p0 $0x1  }
0x45: {  	_ =	swait.ge @!p0 [sflag:s0], s1  }
0x46: {  	s1 =	ssub.s32 @!p0 $0x0, s1;
	[sflag:s0] =	ssyncset.done @!p0 $0x0  }
0x47: {  	[sflag:s0] =	ssyncadd.s32 @!p0 s1  }
0x48: {  	[bflag:$0x3] =	sbarrier.arrive $0xFFFF  }
0x49: {  	_ =	shalt  }

</sc_bundles>
